<compile_context>
chip_gen: v7x
topology: tpu7x:2x2x1
jax: 0.10.2.dev20260603
libtpu: 0.0.44.dev20260713+nightly
codegen_flags: <defaults>
</compile_context>

<pallas_src>
import functools

import jax
import jax.numpy as jnp
from jax import lax
from jax.experimental import pallas as pl
from jax.experimental.pallas import tpu as pltpu
from jax.experimental.pallas import tpu_sc as plsc

EPS = 1e-12
H = 128
NLANE = 16
NCHUNK = H // NLANE


def _lane_allreduce_sum(x):
    dn = lax.GatherDimensionNumbers(
        offset_dims=(), collapsed_slice_dims=(0,), start_index_map=(0,))
    lane = lax.iota(jnp.int32, NLANE)
    for d in (8, 4, 2, 1):
        idx = (lane + d) & (NLANE - 1)
        perm = lax.gather(x, idx[:, None], dn, slice_sizes=(1,),
                          mode=lax.GatherScatterMode.PROMISE_IN_BOUNDS)
        x = x + perm
    return x


def _ln_kernel_body(L, rows_per_worker, num_cores,
                    ids, vec, wemb, pemb, gamma, beta, out,
                    idx_v, x_v, pos_v, gam_v, bet_v, sem_g, sem_w):
    Lp1 = L + 1
    half_l = L // 2
    nb = rows_per_worker
    wid = lax.axis_index("s") * num_cores + lax.axis_index("c")
    base = wid * nb

    pltpu.sync_copy(pemb, pos_v)
    pltpu.sync_copy(gamma, gam_v)
    pltpu.sync_copy(beta, bet_v)
    g = [gam_v[pl.ds(k * NLANE, NLANE)] for k in range(NCHUNK)]
    bt = [bet_v[pl.ds(k * NLANE, NLANE)] for k in range(NCHUNK)]

    def stage_and_fire(row, buf):
        pltpu.sync_copy(ids.at[row], idx_v.at[buf])
        pltpu.sync_copy(vec.at[row], x_v.at[buf, pl.ds(0, 1)])
        pltpu.async_copy(wemb.at[idx_v.at[buf, 0]],
                         x_v.at[buf, pl.ds(1, half_l)], sem_g.at[buf])
        pltpu.async_copy(wemb.at[idx_v.at[buf, 1]],
                         x_v.at[buf, pl.ds(1 + half_l, half_l)], sem_g.at[buf])

    def wait_gather(buf):
        pltpu.make_async_copy(wemb.at[idx_v.at[buf, 0]],
                              x_v.at[buf, pl.ds(1, half_l)], sem_g.at[buf]).wait()
        pltpu.make_async_copy(wemb.at[idx_v.at[buf, 1]],
                              x_v.at[buf, pl.ds(1 + half_l, half_l)], sem_g.at[buf]).wait()

    def wait_writeback(row, buf):
        pltpu.make_async_copy(x_v.at[buf], out.at[row], sem_w.at[buf]).wait()

    stage_and_fire(base, 0)

    def do_batch_row(j, carry):
        buf = j % 3
        nxt = (j + 1) % 3

        @pl.when(j + 1 < nb)
        def _fire_next():
            @pl.when(j >= 2)
            def _drain_wb():
                wait_writeback(base + j - 2, nxt)
            stage_and_fire(base + j + 1, nxt)

        wait_gather(buf)

        @plsc.parallel_loop(0, Lp1, step=1, unroll=3)
        def ln_row(t):
            xs = [x_v[buf, t, pl.ds(k * NLANE, NLANE)] + pos_v[t, pl.ds(k * NLANE, NLANE)]
                  for k in range(NCHUNK)]
            s = ((xs[0] + xs[1]) + (xs[2] + xs[3])) + ((xs[4] + xs[5]) + (xs[6] + xs[7]))
            sq = [x * x for x in xs]
            ss = ((sq[0] + sq[1]) + (sq[2] + sq[3])) + ((sq[4] + sq[5]) + (sq[6] + sq[7]))
            mean_v = _lane_allreduce_sum(s) * (1.0 / H)
            var_v = _lane_allreduce_sum(ss) * (1.0 / H) - mean_v * mean_v
            v = var_v + EPS
            i = lax.bitcast_convert_type(v, jnp.int32)
            i = 0x5F3759DF - (i >> 1)
            y = lax.bitcast_convert_type(i, jnp.float32)
            vh = v * 0.5
            y = y * (1.5 - vh * y * y)
            y = y * (1.5 - vh * y * y)
            for k in range(NCHUNK):
                xn = (xs[k] - mean_v) * y
                x_v[buf, t, pl.ds(k * NLANE, NLANE)] = xn * g[k] + bt[k]

        pltpu.async_copy(x_v.at[buf], out.at[base + j], sem_w.at[buf])
        return carry

    lax.fori_loop(0, nb, do_batch_row, 0)
    for i in range(3):
        row = nb - 3 + i
        wait_writeback(base + row, row % 3)


def kernel(input_ids, vectors, word_emb, pos_emb, ln_gamma, ln_beta):
    B, L = input_ids.shape
    info = plsc.get_sparse_core_info()
    num_workers = info.num_cores * info.num_subcores
    rows_per_worker = B // num_workers
    ids = input_ids.astype(jnp.int32).reshape(B, 2, L // 2)
    vec3 = vectors.reshape(B, 1, H)
    pos_used = pos_emb[1:L + 2]

    mesh = plsc.VectorSubcoreMesh(core_axis_name="c", subcore_axis_name="s")
    body = functools.partial(_ln_kernel_body, L, rows_per_worker, info.num_cores)
    run = pl.kernel(
        body,
        out_type=jax.ShapeDtypeStruct((B, L + 1, H), jnp.float32),
        mesh=mesh,
        scratch_types=[
            pltpu.VMEM((3, 2, L // 2), jnp.int32),
            pltpu.VMEM((3, L + 1, H), jnp.float32),
            pltpu.VMEM((L + 1, H), jnp.float32),
            pltpu.VMEM((H,), jnp.float32),
            pltpu.VMEM((H,), jnp.float32),
            pltpu.SemaphoreType.DMA((3,)),
            pltpu.SemaphoreType.DMA((3,)),
        ],
    )
    return run(ids, vec3, word_emb, pos_used, ln_gamma, ln_beta)

# --- scband reference (transcript-rebuilt; emitter-appended) ---
"""Pipeline reference for scband-vector-text-first-embeddings-6957847019915 (READ-ONLY COPY).

The authoritative reference and input builder live on the scoring server;
editing this copy changes nothing except your own understanding.
"""

import jax, jax.numpy as jnp
import numpy as np

VOCAB = 100000
HIDDEN = 128
MAX_POS = 512
PAD = 0
EPS = 1e-12
B = 1024
L = 200


def setup_inputs(seed: int = 0) -> dict:
    key = jax.random.key(seed)
    k1, k2, k3, k4 = jax.random.split(key, 4)
    input_ids = jax.random.randint(k1, (B, L), 0, VOCAB, dtype=jnp.int64 if jax.config.jax_enable_x64 else jnp.int32)
    vectors = jax.random.normal(k2, (B, HIDDEN), dtype=jnp.float32)
    word_emb = jax.random.normal(k3, (VOCAB, HIDDEN), dtype=jnp.float32) * 0.02
    # padding_idx row zeroed, matching nn.Embedding(padding_idx=PAD)
    word_emb = word_emb.at[PAD].set(0.0)
    # position table has max_position_embedding + padding_idx + 1 rows
    pos_emb = jax.random.normal(k4, (MAX_POS + PAD + 1, HIDDEN), dtype=jnp.float32) * 0.02
    pos_emb = pos_emb.at[PAD].set(0.0)
    ln_gamma = jnp.ones((HIDDEN,), dtype=jnp.float32)
    ln_beta = jnp.zeros((HIDDEN,), dtype=jnp.float32)
    return {
        "input_ids": input_ids,
        "vectors": vectors,
        "word_emb": word_emb,
        "pos_emb": pos_emb,
        "ln_gamma": ln_gamma,
        "ln_beta": ln_beta,
    }


def reference(input_ids, vectors, word_emb, pos_emb, ln_gamma, ln_beta):
    b, l = input_ids.shape
    # all rows are full-length (uniform batch): position ids run PAD+1 .. l+PAD+1 inclusive (length l+1)
    position_ids = jnp.arange(PAD + 1, l + PAD + 2, dtype=input_ids.dtype)
    position_ids = jnp.broadcast_to(position_ids[None, :], (b, l + 1))
    inputs_embeds = jnp.take(word_emb, input_ids, axis=0)          # [B, L, H]
    position_embeddings = jnp.take(pos_emb, position_ids, axis=0)  # [B, L+1, H]
    x = jnp.concatenate([vectors[:, None, :], inputs_embeds], axis=1)  # [B, L+1, H]
    x = x + position_embeddings
    mean = jnp.mean(x, axis=-1, keepdims=True)
    var = jnp.mean(jnp.square(x - mean), axis=-1, keepdims=True)
    xn = (x - mean) / jnp.sqrt(var + EPS)
    out = xn * ln_gamma + ln_beta
    # dropout_prob=0.0 / eval mode -> identity
    return out

if __name__ == "__main__":
    import jax
    _d = setup_inputs()
    print(jax.jit(kernel)(*tuple(_d.values())))

</pallas_src>

<mosaic_0001>
#map = affine_map<(d0, d1) -> (0, 0, 0)>
#map1 = affine_map<(d0, d1) -> (0, 0)>
#map2 = affine_map<(d0, d1) -> (0)>
module attributes {stable_mosaic.version = 14 : i64} {
  func.func @_ln_kernel_body(%arg0: i32, %arg1: i32, %arg2: memref<1024x2x100xi32, #tpu.memory_space<hbm>>, %arg3: memref<1024x1x128xf32, #tpu.memory_space<hbm>>, %arg4: memref<100000x128xf32, #tpu.memory_space<hbm>>, %arg5: memref<201x128xf32, #tpu.memory_space<hbm>>, %arg6: memref<128xf32, #tpu.memory_space<hbm>>, %arg7: memref<128xf32, #tpu.memory_space<hbm>>, %arg8: memref<1024x201x128xf32, #tpu.memory_space<hbm>>, %arg9: memref<3x2x100xi32, #tpu.memory_space<vmem>>, %arg10: memref<3x201x128xf32, #tpu.memory_space<vmem>>, %arg11: memref<201x128xf32, #tpu.memory_space<vmem>>, %arg12: memref<128xf32, #tpu.memory_space<vmem>>, %arg13: memref<128xf32, #tpu.memory_space<vmem>>, %arg14: memref<3x!tpu.dma_semaphore, #tpu.memory_space<semaphore_mem>>, %arg15: memref<3x!tpu.dma_semaphore, #tpu.memory_space<semaphore_mem>>) attributes {dimension_semantics = [#tpu.dimension_semantics<core_parallel>, #tpu.dimension_semantics<subcore_parallel>], iteration_bounds = array<i64: 2, 16>, scalar_prefetch = 0 : i64, scratch_operands = 7 : i64, tpu.core_type = #tpu.core_type<sc_vector_subcore>, window_params = [{transform_indices = #map}, {transform_indices = #map}, {transform_indices = #map1}, {transform_indices = #map1}, {transform_indices = #map2}, {transform_indices = #map2}, {transform_indices = #map}]} {
    %mul3A = arith.constant 2 : i32
    %mul3A_0 = arith.muli %arg1, %mul3A : i32
    %add3A = arith.addi %mul3A_0, %arg0 : i32
    %mul3A_1 = arith.constant 32 : i32
    %mul3A_2 = arith.muli %add3A, %mul3A_1 : i32
    "tpu.region"() ({
      %run_scoped3A_152 = tpu.sem_alloc : memref<!tpu.dma_semaphore, #tpu.memory_space<semaphore_mem>>
      tpu.enqueue_dma source(%arg5 : memref<201x128xf32, #tpu.memory_space<hbm>>) target(%arg11 : memref<201x128xf32, #tpu.memory_space<vmem>>) target_semaphore(%run_scoped3A_152 : memref<!tpu.dma_semaphore, #tpu.memory_space<semaphore_mem>>)
      tpu.wait_dma2 semaphore(%run_scoped3A_152 : memref<!tpu.dma_semaphore, #tpu.memory_space<semaphore_mem>>) src(%arg5 : memref<201x128xf32, #tpu.memory_space<hbm>>) dst(%arg11 : memref<201x128xf32, #tpu.memory_space<vmem>>)
      tpu.yield
    }) : () -> ()
    "tpu.region"() ({
      %run_scoped3A_152 = tpu.sem_alloc : memref<!tpu.dma_semaphore, #tpu.memory_space<semaphore_mem>>
      tpu.enqueue_dma source(%arg6 : memref<128xf32, #tpu.memory_space<hbm>>) target(%arg12 : memref<128xf32, #tpu.memory_space<vmem>>) target_semaphore(%run_scoped3A_152 : memref<!tpu.dma_semaphore, #tpu.memory_space<semaphore_mem>>)
      tpu.wait_dma2 semaphore(%run_scoped3A_152 : memref<!tpu.dma_semaphore, #tpu.memory_space<semaphore_mem>>) src(%arg6 : memref<128xf32, #tpu.memory_space<hbm>>) dst(%arg12 : memref<128xf32, #tpu.memory_space<vmem>>)
      tpu.yield
    }) : () -> ()
    "tpu.region"() ({
      %run_scoped3A_152 = tpu.sem_alloc : memref<!tpu.dma_semaphore, #tpu.memory_space<semaphore_mem>>
      tpu.enqueue_dma source(%arg7 : memref<128xf32, #tpu.memory_space<hbm>>) target(%arg13 : memref<128xf32, #tpu.memory_space<vmem>>) target_semaphore(%run_scoped3A_152 : memref<!tpu.dma_semaphore, #tpu.memory_space<semaphore_mem>>)
      tpu.wait_dma2 semaphore(%run_scoped3A_152 : memref<!tpu.dma_semaphore, #tpu.memory_space<semaphore_mem>>) src(%arg7 : memref<128xf32, #tpu.memory_space<hbm>>) dst(%arg13 : memref<128xf32, #tpu.memory_space<vmem>>)
      tpu.yield
    }) : () -> ()
    %get3A = arith.constant 0 : index
    %get3A_3 = tpu.vector_load %arg12[%get3A] {strides = array<i32>} : memref<128xf32, #tpu.memory_space<vmem>>, vector<16xf32>,
    %get3A_4 = vector.shape_cast %get3A_3 : vector<16xf32> to vector<16xf32>
    %get3A_5 = arith.constant 16 : index
    %get3A_6 = tpu.vector_load %arg12[%get3A_5] {strides = array<i32>} : memref<128xf32, #tpu.memory_space<vmem>>, vector<16xf32>,
    %get3A_7 = vector.shape_cast %get3A_6 : vector<16xf32> to vector<16xf32>
    %get3A_8 = arith.constant 32 : index
    %get3A_9 = tpu.vector_load %arg12[%get3A_8] {strides = array<i32>} : memref<128xf32, #tpu.memory_space<vmem>>, vector<16xf32>,
    %get3A_10 = vector.shape_cast %get3A_9 : vector<16xf32> to vector<16xf32>
    %get3A_11 = arith.constant 48 : index
    %get3A_12 = tpu.vector_load %arg12[%get3A_11] {strides = array<i32>} : memref<128xf32, #tpu.memory_space<vmem>>, vector<16xf32>,
    %get3A_13 = vector.shape_cast %get3A_12 : vector<16xf32> to vector<16xf32>
    %get3A_14 = arith.constant 64 : index
    %get3A_15 = tpu.vector_load %arg12[%get3A_14] {strides = array<i32>} : memref<128xf32, #tpu.memory_space<vmem>>, vector<16xf32>,
    %get3A_16 = vector.shape_cast %get3A_15 : vector<16xf32> to vector<16xf32>
    %get3A_17 = arith.constant 80 : index
    %get3A_18 = tpu.vector_load %arg12[%get3A_17] {strides = array<i32>} : memref<128xf32, #tpu.memory_space<vmem>>, vector<16xf32>,
    %get3A_19 = vector.shape_cast %get3A_18 : vector<16xf32> to vector<16xf32>
    %get3A_20 = arith.constant 96 : index
    %get3A_21 = tpu.vector_load %arg12[%get3A_20] {strides = array<i32>} : memref<128xf32, #tpu.memory_space<vmem>>, vector<16xf32>,
    %get3A_22 = vector.shape_cast %get3A_21 : vector<16xf32> to vector<16xf32>
    %get3A_23 = arith.constant 112 : index
    %get3A_24 = tpu.vector_load %arg12[%get3A_23] {strides = array<i32>} : memref<128xf32, #tpu.memory_space<vmem>>, vector<16xf32>,
    %get3A_25 = vector.shape_cast %get3A_24 : vector<16xf32> to vector<16xf32>
    %get3A_26 = arith.constant 0 : index
    %get3A_27 = tpu.vector_load %arg13[%get3A_26] {strides = array<i32>} : memref<128xf32, #tpu.memory_space<vmem>>, vector<16xf32>,
    %get3A_28 = vector.shape_cast %get3A_27 : vector<16xf32> to vector<16xf32>
    %get3A_29 = arith.constant 16 : index
    %get3A_30 = tpu.vector_load %arg13[%get3A_29] {strides = array<i32>} : memref<128xf32, #tpu.memory_space<vmem>>, vector<16xf32>,
    %get3A_31 = vector.shape_cast %get3A_30 : vector<16xf32> to vector<16xf32>
    %get3A_32 = arith.constant 32 : index
    %get3A_33 = tpu.vector_load %arg13[%get3A_32] {strides = array<i32>} : memref<128xf32, #tpu.memory_space<vmem>>, vector<16xf32>,
    %get3A_34 = vector.shape_cast %get3A_33 : vector<16xf32> to vector<16xf32>
    %get3A_35 = arith.constant 48 : index
    %get3A_36 = tpu.vector_load %arg13[%get3A_35] {strides = array<i32>} : memref<128xf32, #tpu.memory_space<vmem>>, vector<16xf32>,
    %get3A_37 = vector.shape_cast %get3A_36 : vector<16xf32> to vector<16xf32>
    %get3A_38 = arith.constant 64 : index
    %get3A_39 = tpu.vector_load %arg13[%get3A_38] {strides = array<i32>} : memref<128xf32, #tpu.memory_space<vmem>>, vector<16xf32>,
    %get3A_40 = vector.shape_cast %get3A_39 : vector<16xf32> to vector<16xf32>
    %get3A_41 = arith.constant 80 : index
    %get3A_42 = tpu.vector_load %arg13[%get3A_41] {strides = array<i32>} : memref<128xf32, #tpu.memory_space<vmem>>, vector<16xf32>,
    %get3A_43 = vector.shape_cast %get3A_42 : vector<16xf32> to vector<16xf32>
    %get3A_44 = arith.constant 96 : index
    %get3A_45 = tpu.vector_load %arg13[%get3A_44] {strides = array<i32>} : memref<128xf32, #tpu.memory_space<vmem>>, vector<16xf32>,
    %get3A_46 = vector.shape_cast %get3A_45 : vector<16xf32> to vector<16xf32>
    %get3A_47 = arith.constant 112 : index
    %get3A_48 = tpu.vector_load %arg13[%get3A_47] {strides = array<i32>} : memref<128xf32, #tpu.memory_space<vmem>>, vector<16xf32>,
    %get3A_49 = vector.shape_cast %get3A_48 : vector<16xf32> to vector<16xf32>
    %run_scoped3A = arith.constant 0 : i32
    "tpu.region"() ({
      %run_scoped3A_152 = tpu.sem_alloc : memref<!tpu.dma_semaphore, #tpu.memory_space<semaphore_mem>>
      %dma_start3A_153 = arith.constant 0 : i32
      %dma_start3A_154 = arith.constant 0 : i32
      %dma_start3A_155 = tpu.memref_slice %arg9[%run_scoped3A, %dma_start3A_153, %dma_start3A_154] : memref<3x2x100xi32, #tpu.memory_space<vmem>> -> memref<1x2x100xi32, #tpu.memory_space<vmem>>
      %dma_start3A_156 = tpu.memref_squeeze %dma_start3A_155 : memref<1x2x100xi32, #tpu.memory_space<vmem>> -> memref<2x100xi32, #tpu.memory_space<vmem>>
      %dma_start3A_157 = arith.constant 0 : i32
      %dma_start3A_158 = arith.constant 0 : i32
      %dma_start3A_159 = tpu.memref_slice %arg2[%mul3A_2, %dma_start3A_157, %dma_start3A_158] : memref<1024x2x100xi32, #tpu.memory_space<hbm>> -> memref<1x2x100xi32, #tpu.memory_space<hbm>>
      %dma_start3A_160 = tpu.memref_squeeze %dma_start3A_159 : memref<1x2x100xi32, #tpu.memory_space<hbm>> -> memref<2x100xi32, #tpu.memory_space<hbm>>
      %dma_start3A_161 = arith.constant 0 : i32
      %dma_start3A_162 = arith.constant 0 : i32
      %dma_start3A_163 = tpu.memref_slice %arg9[%run_scoped3A, %dma_start3A_161, %dma_start3A_162] : memref<3x2x100xi32, #tpu.memory_space<vmem>> -> memref<1x2x100xi32, #tpu.memory_space<vmem>>
      %dma_start3A_164 = tpu.memref_squeeze %dma_start3A_163 : memref<1x2x100xi32, #tpu.memory_space<vmem>> -> memref<2x100xi32, #tpu.memory_space<vmem>>
      %dma_start3A_165 = arith.constant 0 : i32
      %dma_start3A_166 = arith.constant 0 : i32
      %dma_start3A_167 = tpu.memref_slice %arg2[%mul3A_2, %dma_start3A_165, %dma_start3A_166] : memref<1024x2x100xi32, #tpu.memory_space<hbm>> -> memref<1x2x100xi32, #tpu.memory_space<hbm>>
      %dma_start3A_168 = tpu.memref_squeeze %dma_start3A_167 : memref<1x2x100xi32, #tpu.memory_space<hbm>> -> memref<2x100xi32, #tpu.memory_space<hbm>>
      tpu.enqueue_dma source(%dma_start3A_168 : memref<2x100xi32, #tpu.memory_space<hbm>>) target(%dma_start3A_164 : memref<2x100xi32, #tpu.memory_space<vmem>>) target_semaphore(%run_scoped3A_152 : memref<!tpu.dma_semaphore, #tpu.memory_space<semaphore_mem>>)
      %dma_wait3A_169 = arith.constant 0 : i32
      %dma_wait3A_170 = arith.constant 0 : i32
      %dma_wait3A_171 = tpu.memref_slice %arg9[%run_scoped3A, %dma_wait3A_169, %dma_wait3A_170] : memref<3x2x100xi32, #tpu.memory_space<vmem>> -> memref<1x2x100xi32, #tpu.memory_space<vmem>>
      %dma_wait3A_172 = tpu.memref_squeeze %dma_wait3A_171 : memref<1x2x100xi32, #tpu.memory_space<vmem>> -> memref<2x100xi32, #tpu.memory_space<vmem>>
      %dma_wait3A_173 = arith.constant 0 : i32
      %dma_wait3A_174 = arith.constant 0 : i32
      %dma_wait3A_175 = tpu.memref_slice %arg2[%mul3A_2, %dma_wait3A_173, %dma_wait3A_174] : memref<1024x2x100xi32, #tpu.memory_space<hbm>> -> memref<1x2x100xi32, #tpu.memory_space<hbm>>
      %dma_wait3A_176 = tpu.memref_squeeze %dma_wait3A_175 : memref<1x2x100xi32, #tpu.memory_space<hbm>> -> memref<2x100xi32, #tpu.memory_space<hbm>>
      %dma_wait3A_177 = arith.constant 0 : i32
      %dma_wait3A_178 = arith.constant 0 : i32
      %dma_wait3A_179 = tpu.memref_slice %arg9[%run_scoped3A, %dma_wait3A_177, %dma_wait3A_178] : memref<3x2x100xi32, #tpu.memory_space<vmem>> -> memref<1x2x100xi32, #tpu.memory_space<vmem>>
      %dma_wait3A_180 = tpu.memref_squeeze %dma_wait3A_179 : memref<1x2x100xi32, #tpu.memory_space<vmem>> -> memref<2x100xi32, #tpu.memory_space<vmem>>
      %dma_wait3A_181 = arith.constant 0 : i32
      %dma_wait3A_182 = arith.constant 0 : i32
      %dma_wait3A_183 = tpu.memref_slice %arg2[%mul3A_2, %dma_wait3A_181, %dma_wait3A_182] : memref<1024x2x100xi32, #tpu.memory_space<hbm>> -> memref<1x2x100xi32, #tpu.memory_space<hbm>>
      %dma_wait3A_184 = tpu.memref_squeeze %dma_wait3A_183 : memref<1x2x100xi32, #tpu.memory_space<hbm>> -> memref<2x100xi32, #tpu.memory_space<hbm>>
      tpu.wait_dma2 semaphore(%run_scoped3A_152 : memref<!tpu.dma_semaphore, #tpu.memory_space<semaphore_mem>>) src(%dma_wait3A_184 : memref<2x100xi32, #tpu.memory_space<hbm>>) dst(%dma_wait3A_180 : memref<2x100xi32, #tpu.memory_space<vmem>>)
      tpu.yield
    }) : () -> ()
    %run_scoped3A_50 = arith.constant 0 : i32
    "tpu.region"() ({
      %run_scoped3A_152 = tpu.sem_alloc : memref<!tpu.dma_semaphore, #tpu.memory_space<semaphore_mem>>
      %dma_start3A_153 = arith.constant 0 : i32
      %dma_start3A_154 = arith.constant 0 : i32
      %dma_start3A_155 = tpu.memref_slice %arg10[%run_scoped3A_50, %dma_start3A_153, %dma_start3A_154] : memref<3x201x128xf32, #tpu.memory_space<vmem>> -> memref<1x1x128xf32, #tpu.memory_space<vmem>>
      %dma_start3A_156 = tpu.memref_squeeze %dma_start3A_155 : memref<1x1x128xf32, #tpu.memory_space<vmem>> -> memref<1x128xf32, #tpu.memory_space<vmem>>
      %dma_start3A_157 = arith.constant 0 : i32
      %dma_start3A_158 = arith.constant 0 : i32
      %dma_start3A_159 = tpu.memref_slice %arg3[%mul3A_2, %dma_start3A_157, %dma_start3A_158] : memref<1024x1x128xf32, #tpu.memory_space<hbm>> -> memref<1x1x128xf32, #tpu.memory_space<hbm>>
      %dma_start3A_160 = tpu.memref_squeeze %dma_start3A_159 : memref<1x1x128xf32, #tpu.memory_space<hbm>> -> memref<1x128xf32, #tpu.memory_space<hbm>>
      %dma_start3A_161 = arith.constant 0 : i32
      %dma_start3A_162 = arith.constant 0 : i32
      %dma_start3A_163 = tpu.memref_slice %arg10[%run_scoped3A_50, %dma_start3A_161, %dma_start3A_162] : memref<3x201x128xf32, #tpu.memory_space<vmem>> -> memref<1x1x128xf32, #tpu.memory_space<vmem>>
      %dma_start3A_164 = tpu.memref_squeeze %dma_start3A_163 : memref<1x1x128xf32, #tpu.memory_space<vmem>> -> memref<1x128xf32, #tpu.memory_space<vmem>>
      %dma_start3A_165 = arith.constant 0 : i32
      %dma_start3A_166 = arith.constant 0 : i32
      %dma_start3A_167 = tpu.memref_slice %arg3[%mul3A_2, %dma_start3A_165, %dma_start3A_166] : memref<1024x1x128xf32, #tpu.memory_space<hbm>> -> memref<1x1x128xf32, #tpu.memory_space<hbm>>
      %dma_start3A_168 = tpu.memref_squeeze %dma_start3A_167 : memref<1x1x128xf32, #tpu.memory_space<hbm>> -> memref<1x128xf32, #tpu.memory_space<hbm>>
      tpu.enqueue_dma source(%dma_start3A_168 : memref<1x128xf32, #tpu.memory_space<hbm>>) target(%dma_start3A_164 : memref<1x128xf32, #tpu.memory_space<vmem>>) target_semaphore(%run_scoped3A_152 : memref<!tpu.dma_semaphore, #tpu.memory_space<semaphore_mem>>)
      %dma_wait3A_169 = arith.constant 0 : i32
      %dma_wait3A_170 = arith.constant 0 : i32
      %dma_wait3A_171 = tpu.memref_slice %arg10[%run_scoped3A_50, %dma_wait3A_169, %dma_wait3A_170] : memref<3x201x128xf32, #tpu.memory_space<vmem>> -> memref<1x1x128xf32, #tpu.memory_space<vmem>>
      %dma_wait3A_172 = tpu.memref_squeeze %dma_wait3A_171 : memref<1x1x128xf32, #tpu.memory_space<vmem>> -> memref<1x128xf32, #tpu.memory_space<vmem>>
      %dma_wait3A_173 = arith.constant 0 : i32
      %dma_wait3A_174 = arith.constant 0 : i32
      %dma_wait3A_175 = tpu.memref_slice %arg3[%mul3A_2, %dma_wait3A_173, %dma_wait3A_174] : memref<1024x1x128xf32, #tpu.memory_space<hbm>> -> memref<1x1x128xf32, #tpu.memory_space<hbm>>
      %dma_wait3A_176 = tpu.memref_squeeze %dma_wait3A_175 : memref<1x1x128xf32, #tpu.memory_space<hbm>> -> memref<1x128xf32, #tpu.memory_space<hbm>>
      %dma_wait3A_177 = arith.constant 0 : i32
      %dma_wait3A_178 = arith.constant 0 : i32
      %dma_wait3A_179 = tpu.memref_slice %arg10[%run_scoped3A_50, %dma_wait3A_177, %dma_wait3A_178] : memref<3x201x128xf32, #tpu.memory_space<vmem>> -> memref<1x1x128xf32, #tpu.memory_space<vmem>>
      %dma_wait3A_180 = tpu.memref_squeeze %dma_wait3A_179 : memref<1x1x128xf32, #tpu.memory_space<vmem>> -> memref<1x128xf32, #tpu.memory_space<vmem>>
      %dma_wait3A_181 = arith.constant 0 : i32
      %dma_wait3A_182 = arith.constant 0 : i32
      %dma_wait3A_183 = tpu.memref_slice %arg3[%mul3A_2, %dma_wait3A_181, %dma_wait3A_182] : memref<1024x1x128xf32, #tpu.memory_space<hbm>> -> memref<1x1x128xf32, #tpu.memory_space<hbm>>
      %dma_wait3A_184 = tpu.memref_squeeze %dma_wait3A_183 : memref<1x1x128xf32, #tpu.memory_space<hbm>> -> memref<1x128xf32, #tpu.memory_space<hbm>>
      tpu.wait_dma2 semaphore(%run_scoped3A_152 : memref<!tpu.dma_semaphore, #tpu.memory_space<semaphore_mem>>) src(%dma_wait3A_184 : memref<1x128xf32, #tpu.memory_space<hbm>>) dst(%dma_wait3A_180 : memref<1x128xf32, #tpu.memory_space<vmem>>)
      tpu.yield
    }) : () -> ()
    %dma_start3A = arith.constant 0 : i32
    %dma_start3A_51 = arith.constant 0 : i32
    %dma_start3A_52 = arith.constant 0 : i32
    %dma_start3A_53 = arith.constant 0 : i32
    %dma_start3A_54 = arith.constant 1 : i32
    %dma_start3A_55 = arith.constant 0 : i32
    %dma_start3A_56 = tpu.memref_slice %arg10[%dma_start3A_52, %dma_start3A_54, %dma_start3A_55] : memref<3x201x128xf32, #tpu.memory_space<vmem>> -> memref<1x100x128xf32, #tpu.memory_space<vmem>>
    %dma_start3A_57 = tpu.memref_squeeze %dma_start3A_56 : memref<1x100x128xf32, #tpu.memory_space<vmem>> -> memref<100x128xf32, #tpu.memory_space<vmem>>
    %dma_start3A_58 = arith.constant 0 : i32
    %dma_start3A_59 = tpu.memref_slice %arg9[%dma_start3A, %dma_start3A_51, %dma_start3A_58] : memref<3x2x100xi32, #tpu.memory_space<vmem>> -> memref<1x1x100xi32, #tpu.memory_space<vmem>>
    %dma_start3A_60 = tpu.memref_squeeze %dma_start3A_59 : memref<1x1x100xi32, #tpu.memory_space<vmem>> -> memref<100xi32, #tpu.memory_space<vmem>>
    %dma_start3A_61 = arith.constant 0 : i32
    %dma_start3A_62 = arith.constant 0 : i32
    %dma_start3A_63 = tpu.memref_slice %arg4[%dma_start3A_61, %dma_start3A_62] : memref<100000x128xf32, #tpu.memory_space<hbm>> -> memref<100000x128xf32, #tpu.memory_space<hbm>>
    %dma_start3A_64 = tpu.memref_slice %arg14[%dma_start3A_53] : memref<3x!tpu.dma_semaphore, #tpu.memory_space<semaphore_mem>> -> memref<1x!tpu.dma_semaphore, #tpu.memory_space<semaphore_mem>>
    %dma_start3A_65 = tpu.memref_squeeze %dma_start3A_64 : memref<1x!tpu.dma_semaphore, #tpu.memory_space<semaphore_mem>> -> memref<!tpu.dma_semaphore, #tpu.memory_space<semaphore_mem>>
    tpu.enqueue_indirect_dma source(%dma_start3A_63 : memref<100000x128xf32, #tpu.memory_space<hbm>>) target(%dma_start3A_57 : memref<100x128xf32, #tpu.memory_space<vmem>>) offsets(%dma_start3A_60 : memref<100xi32, #tpu.memory_space<vmem>>) semaphore(%dma_start3A_65 : memref<!tpu.dma_semaphore, #tpu.memory_space<semaphore_mem>>)
    %dma_start3A_66 = arith.constant 0 : i32
    %dma_start3A_67 = arith.constant 1 : i32
    %dma_start3A_68 = arith.constant 0 : i32
    %dma_start3A_69 = arith.constant 0 : i32
    %dma_start3A_70 = arith.constant 101 : i32
    %dma_start3A_71 = arith.constant 0 : i32
    %dma_start3A_72 = tpu.memref_slice %arg10[%dma_start3A_68, %dma_start3A_70, %dma_start3A_71] : memref<3x201x128xf32, #tpu.memory_space<vmem>> -> memref<1x100x128xf32, #tpu.memory_space<vmem>>
    %dma_start3A_73 = tpu.memref_squeeze %dma_start3A_72 : memref<1x100x128xf32, #tpu.memory_space<vmem>> -> memref<100x128xf32, #tpu.memory_space<vmem>>
    %dma_start3A_74 = arith.constant 0 : i32
    %dma_start3A_75 = tpu.memref_slice %arg9[%dma_start3A_66, %dma_start3A_67, %dma_start3A_74] : memref<3x2x100xi32, #tpu.memory_space<vmem>> -> memref<1x1x100xi32, #tpu.memory_space<vmem>>
    %dma_start3A_76 = tpu.memref_squeeze %dma_start3A_75 : memref<1x1x100xi32, #tpu.memory_space<vmem>> -> memref<100xi32, #tpu.memory_space<vmem>>
    %dma_start3A_77 = arith.constant 0 : i32
    %dma_start3A_78 = arith.constant 0 : i32
    %dma_start3A_79 = tpu.memref_slice %arg4[%dma_start3A_77, %dma_start3A_78] : memref<100000x128xf32, #tpu.memory_space<hbm>> -> memref<100000x128xf32, #tpu.memory_space<hbm>>
    %dma_start3A_80 = tpu.memref_slice %arg14[%dma_start3A_69] : memref<3x!tpu.dma_semaphore, #tpu.memory_space<semaphore_mem>> -> memref<1x!tpu.dma_semaphore, #tpu.memory_space<semaphore_mem>>
    %dma_start3A_81 = tpu.memref_squeeze %dma_start3A_80 : memref<1x!tpu.dma_semaphore, #tpu.memory_space<semaphore_mem>> -> memref<!tpu.dma_semaphore, #tpu.memory_space<semaphore_mem>>
    tpu.enqueue_indirect_dma source(%dma_start3A_79 : memref<100000x128xf32, #tpu.memory_space<hbm>>) target(%dma_start3A_73 : memref<100x128xf32, #tpu.memory_space<vmem>>) offsets(%dma_start3A_76 : memref<100xi32, #tpu.memory_space<vmem>>) semaphore(%dma_start3A_81 : memref<!tpu.dma_semaphore, #tpu.memory_space<semaphore_mem>>)
    %scan3A = arith.constant 0 : i32
    %scan3A_82 = arith.constant 0 : i32
    %scan3A_83 = arith.constant 32 : i32
    %scan3A_84 = arith.addi %scan3A_82, %scan3A_83 : i32
    %scan3A_85 = arith.constant 1 : i32
    scf.for %scan3A_152 = %scan3A_82 to %scan3A_84 step %scan3A_85  : i32 {
      %jit3A = arith.constant 3 : i32
      %eq3A = arith.constant 0 : i32
      %eq3A_153 = arith.cmpi eq, %jit3A, %eq3A : i32
      %jit3A_154 = arith.constant 1 : i32
      %select_n3A = arith.select %eq3A_153, %jit3A_154, %jit3A : i32
      %rem3A = arith.remsi %scan3A_152, %select_n3A : i32
      %ne3A = arith.constant 0 : i32
      %ne3A_155 = arith.cmpi ne, %rem3A, %ne3A : i32
      %lt3A = arith.constant 0 : i32
      %lt3A_156 = arith.cmpi slt, %rem3A, %lt3A : i32
      %lt3A_157 = arith.constant 0 : i32
      %lt3A_158 = arith.cmpi slt, %select_n3A, %lt3A_157 : i32
      %ne3A_159 = arith.xori %lt3A_156, %lt3A_158 : i1
      %and3A = arith.andi %ne3A_159, %ne3A_155 : i1
      %add3A_160 = arith.addi %rem3A, %select_n3A : i32
      %select_n3A_161 = arith.select %and3A, %add3A_160, %rem3A : i32
      %add3A_162 = arith.constant 1 : i32
      %add3A_163 = arith.addi %scan3A_152, %add3A_162 : i32
      %jit3A_164 = arith.constant 3 : i32
      %eq3A_165 = arith.constant 0 : i32
      %eq3A_166 = arith.cmpi eq, %jit3A_164, %eq3A_165 : i32
      %jit3A_167 = arith.constant 1 : i32
      %select_n3A_168 = arith.select %eq3A_166, %jit3A_167, %jit3A_164 : i32
      %rem3A_169 = arith.remsi %add3A_163, %select_n3A_168 : i32
      %ne3A_170 = arith.constant 0 : i32
      %ne3A_171 = arith.cmpi ne, %rem3A_169, %ne3A_170 : i32
      %lt3A_172 = arith.constant 0 : i32
      %lt3A_173 = arith.cmpi slt, %rem3A_169, %lt3A_172 : i32
      %lt3A_174 = arith.constant 0 : i32
      %lt3A_175 = arith.cmpi slt, %select_n3A_168, %lt3A_174 : i32
      %ne3A_176 = arith.xori %lt3A_173, %lt3A_175 : i1
      %and3A_177 = arith.andi %ne3A_176, %ne3A_171 : i1
      %add3A_178 = arith.addi %rem3A_169, %select_n3A_168 : i32
      %select_n3A_179 = arith.select %and3A_177, %add3A_178, %rem3A_169 : i32
      %add3A_180 = arith.constant 1 : i32
      %add3A_181 = arith.addi %scan3A_152, %add3A_180 : i32
      %lt3A_182 = arith.constant 32 : i32
      %lt3A_183 = arith.cmpi slt, %add3A_181, %lt3A_182 : i32
      %convert_element_type3A = arith.extui %lt3A_183 : i1 to i32
      %cond3A = arith.constant 0 : i32
      %cond3A_184 = arith.cmpi ne, %convert_element_type3A, %cond3A : i32
      scf.if %cond3A_184 {
        %ge3A = arith.constant 2 : i32
        %ge3A_232 = arith.cmpi sge, %scan3A_152, %ge3A : i32
        %convert_element_type3A_233 = arith.extui %ge3A_232 : i1 to i32
        %cond3A_234 = arith.constant 0 : i32
        %cond3A_235 = arith.cmpi ne, %convert_element_type3A_233, %cond3A_234 : i32
        scf.if %cond3A_235 {
          %add3A_265 = arith.addi %mul3A_2, %scan3A_152 : i32
          %sub3A = arith.constant 2 : i32
          %sub3A_266 = arith.subi %add3A_265, %sub3A : i32
          %dma_wait3A_267 = arith.constant 0 : i32
          %dma_wait3A_268 = arith.constant 0 : i32
          %dma_wait3A_269 = tpu.memref_slice %arg10[%select_n3A_179, %dma_wait3A_267, %dma_wait3A_268] : memref<3x201x128xf32, #tpu.memory_space<vmem>> -> memref<1x201x128xf32, #tpu.memory_space<vmem>>
          %dma_wait3A_270 = tpu.memref_squeeze %dma_wait3A_269 : memref<1x201x128xf32, #tpu.memory_space<vmem>> -> memref<201x128xf32, #tpu.memory_space<vmem>>
          %dma_wait3A_271 = arith.constant 0 : i32
          %dma_wait3A_272 = arith.constant 0 : i32
          %dma_wait3A_273 = tpu.memref_slice %arg8[%sub3A_266, %dma_wait3A_271, %dma_wait3A_272] : memref<1024x201x128xf32, #tpu.memory_space<hbm>> -> memref<1x201x128xf32, #tpu.memory_space<hbm>>
          %dma_wait3A_274 = tpu.memref_squeeze %dma_wait3A_273 : memref<1x201x128xf32, #tpu.memory_space<hbm>> -> memref<201x128xf32, #tpu.memory_space<hbm>>
          %dma_wait3A_275 = tpu.memref_slice %arg15[%select_n3A_179] : memref<3x!tpu.dma_semaphore, #tpu.memory_space<semaphore_mem>> -> memref<1x!tpu.dma_semaphore, #tpu.memory_space<semaphore_mem>>
          %dma_wait3A_276 = tpu.memref_squeeze %dma_wait3A_275 : memref<1x!tpu.dma_semaphore, #tpu.memory_space<semaphore_mem>> -> memref<!tpu.dma_semaphore, #tpu.memory_space<semaphore_mem>>
          %dma_wait3A_277 = arith.constant 0 : i32
          %dma_wait3A_278 = arith.constant 0 : i32
          %dma_wait3A_279 = tpu.memref_slice %arg8[%sub3A_266, %dma_wait3A_277, %dma_wait3A_278] : memref<1024x201x128xf32, #tpu.memory_space<hbm>> -> memref<1x201x128xf32, #tpu.memory_space<hbm>>
          %dma_wait3A_280 = tpu.memref_squeeze %dma_wait3A_279 : memref<1x201x128xf32, #tpu.memory_space<hbm>> -> memref<201x128xf32, #tpu.memory_space<hbm>>
          %dma_wait3A_281 = arith.constant 0 : i32
          %dma_wait3A_282 = arith.constant 0 : i32
          %dma_wait3A_283 = tpu.memref_slice %arg10[%select_n3A_179, %dma_wait3A_281, %dma_wait3A_282] : memref<3x201x128xf32, #tpu.memory_space<vmem>> -> memref<1x201x128xf32, #tpu.memory_space<vmem>>
          %dma_wait3A_284 = tpu.memref_squeeze %dma_wait3A_283 : memref<1x201x128xf32, #tpu.memory_space<vmem>> -> memref<201x128xf32, #tpu.memory_space<vmem>>
          tpu.wait_dma2 semaphore(%dma_wait3A_276 : memref<!tpu.dma_semaphore, #tpu.memory_space<semaphore_mem>>) src(%dma_wait3A_284 : memref<201x128xf32, #tpu.memory_space<vmem>>) dst(%dma_wait3A_280 : memref<201x128xf32, #tpu.memory_space<hbm>>)
        } else {
        }
        %add3A_236 = arith.addi %mul3A_2, %scan3A_152 : i32
        %add3A_237 = arith.constant 1 : i32
        %add3A_238 = arith.addi %add3A_236, %add3A_237 : i32
        "tpu.region"() ({
          %run_scoped3A_265 = tpu.sem_alloc : memref<!tpu.dma_semaphore, #tpu.memory_space<semaphore_mem>>
          %dma_start3A_266 = arith.constant 0 : i32
          %dma_start3A_267 = arith.constant 0 : i32
          %dma_start3A_268 = tpu.memref_slice %arg9[%select_n3A_179, %dma_start3A_266, %dma_start3A_267] : memref<3x2x100xi32, #tpu.memory_space<vmem>> -> memref<1x2x100xi32, #tpu.memory_space<vmem>>
          %dma_start3A_269 = tpu.memref_squeeze %dma_start3A_268 : memref<1x2x100xi32, #tpu.memory_space<vmem>> -> memref<2x100xi32, #tpu.memory_space<vmem>>
          %dma_start3A_270 = arith.constant 0 : i32
          %dma_start3A_271 = arith.constant 0 : i32
          %dma_start3A_272 = tpu.memref_slice %arg2[%add3A_238, %dma_start3A_270, %dma_start3A_271] : memref<1024x2x100xi32, #tpu.memory_space<hbm>> -> memref<1x2x100xi32, #tpu.memory_space<hbm>>
          %dma_start3A_273 = tpu.memref_squeeze %dma_start3A_272 : memref<1x2x100xi32, #tpu.memory_space<hbm>> -> memref<2x100xi32, #tpu.memory_space<hbm>>
          %dma_start3A_274 = arith.constant 0 : i32
          %dma_start3A_275 = arith.constant 0 : i32
          %dma_start3A_276 = tpu.memref_slice %arg9[%select_n3A_179, %dma_start3A_274, %dma_start3A_275] : memref<3x2x100xi32, #tpu.memory_space<vmem>> -> memref<1x2x100xi32, #tpu.memory_space<vmem>>
          %dma_start3A_277 = tpu.memref_squeeze %dma_start3A_276 : memref<1x2x100xi32, #tpu.memory_space<vmem>> -> memref<2x100xi32, #tpu.memory_space<vmem>>
          %dma_start3A_278 = arith.constant 0 : i32
          %dma_start3A_279 = arith.constant 0 : i32
          %dma_start3A_280 = tpu.memref_slice %arg2[%add3A_238, %dma_start3A_278, %dma_start3A_279] : memref<1024x2x100xi32, #tpu.memory_space<hbm>> -> memref<1x2x100xi32, #tpu.memory_space<hbm>>
          %dma_start3A_281 = tpu.memref_squeeze %dma_start3A_280 : memref<1x2x100xi32, #tpu.memory_space<hbm>> -> memref<2x100xi32, #tpu.memory_space<hbm>>
          tpu.enqueue_dma source(%dma_start3A_281 : memref<2x100xi32, #tpu.memory_space<hbm>>) target(%dma_start3A_277 : memref<2x100xi32, #tpu.memory_space<vmem>>) target_semaphore(%run_scoped3A_265 : memref<!tpu.dma_semaphore, #tpu.memory_space<semaphore_mem>>)
          %dma_wait3A_282 = arith.constant 0 : i32
          %dma_wait3A_283 = arith.constant 0 : i32
          %dma_wait3A_284 = tpu.memref_slice %arg9[%select_n3A_179, %dma_wait3A_282, %dma_wait3A_283] : memref<3x2x100xi32, #tpu.memory_space<vmem>> -> memref<1x2x100xi32, #tpu.memory_space<vmem>>
          %dma_wait3A_285 = tpu.memref_squeeze %dma_wait3A_284 : memref<1x2x100xi32, #tpu.memory_space<vmem>> -> memref<2x100xi32, #tpu.memory_space<vmem>>
          %dma_wait3A_286 = arith.constant 0 : i32
          %dma_wait3A_287 = arith.constant 0 : i32
          %dma_wait3A_288 = tpu.memref_slice %arg2[%add3A_238, %dma_wait3A_286, %dma_wait3A_287] : memref<1024x2x100xi32, #tpu.memory_space<hbm>> -> memref<1x2x100xi32, #tpu.memory_space<hbm>>
          %dma_wait3A_289 = tpu.memref_squeeze %dma_wait3A_288 : memref<1x2x100xi32, #tpu.memory_space<hbm>> -> memref<2x100xi32, #tpu.memory_space<hbm>>
          %dma_wait3A_290 = arith.constant 0 : i32
          %dma_wait3A_291 = arith.constant 0 : i32
          %dma_wait3A_292 = tpu.memref_slice %arg9[%select_n3A_179, %dma_wait3A_290, %dma_wait3A_291] : memref<3x2x100xi32, #tpu.memory_space<vmem>> -> memref<1x2x100xi32, #tpu.memory_space<vmem>>
          %dma_wait3A_293 = tpu.memref_squeeze %dma_wait3A_292 : memref<1x2x100xi32, #tpu.memory_space<vmem>> -> memref<2x100xi32, #tpu.memory_space<vmem>>
          %dma_wait3A_294 = arith.constant 0 : i32
          %dma_wait3A_295 = arith.constant 0 : i32
          %dma_wait3A_296 = tpu.memref_slice %arg2[%add3A_238, %dma_wait3A_294, %dma_wait3A_295] : memref<1024x2x100xi32, #tpu.memory_space<hbm>> -> memref<1x2x100xi32, #tpu.memory_space<hbm>>
          %dma_wait3A_297 = tpu.memref_squeeze %dma_wait3A_296 : memref<1x2x100xi32, #tpu.memory_space<hbm>> -> memref<2x100xi32, #tpu.memory_space<hbm>>
          tpu.wait_dma2 semaphore(%run_scoped3A_265 : memref<!tpu.dma_semaphore, #tpu.memory_space<semaphore_mem>>) src(%dma_wait3A_297 : memref<2x100xi32, #tpu.memory_space<hbm>>) dst(%dma_wait3A_293 : memref<2x100xi32, #tpu.memory_space<vmem>>)
          tpu.yield
        }) : () -> ()
        "tpu.region"() ({
          %run_scoped3A_265 = tpu.sem_alloc : memref<!tpu.dma_semaphore, #tpu.memory_space<semaphore_mem>>
          %dma_start3A_266 = arith.constant 0 : i32
          %dma_start3A_267 = arith.constant 0 : i32
          %dma_start3A_268 = tpu.memref_slice %arg10[%select_n3A_179, %dma_start3A_266, %dma_start3A_267] : memref<3x201x128xf32, #tpu.memory_space<vmem>> -> memref<1x1x128xf32, #tpu.memory_space<vmem>>
          %dma_start3A_269 = tpu.memref_squeeze %dma_start3A_268 : memref<1x1x128xf32, #tpu.memory_space<vmem>> -> memref<1x128xf32, #tpu.memory_space<vmem>>
          %dma_start3A_270 = arith.constant 0 : i32
          %dma_start3A_271 = arith.constant 0 : i32
          %dma_start3A_272 = tpu.memref_slice %arg3[%add3A_238, %dma_start3A_270, %dma_start3A_271] : memref<1024x1x128xf32, #tpu.memory_space<hbm>> -> memref<1x1x128xf32, #tpu.memory_space<hbm>>
          %dma_start3A_273 = tpu.memref_squeeze %dma_start3A_272 : memref<1x1x128xf32, #tpu.memory_space<hbm>> -> memref<1x128xf32, #tpu.memory_space<hbm>>
          %dma_start3A_274 = arith.constant 0 : i32
          %dma_start3A_275 = arith.constant 0 : i32
          %dma_start3A_276 = tpu.memref_slice %arg10[%select_n3A_179, %dma_start3A_274, %dma_start3A_275] : memref<3x201x128xf32, #tpu.memory_space<vmem>> -> memref<1x1x128xf32, #tpu.memory_space<vmem>>
          %dma_start3A_277 = tpu.memref_squeeze %dma_start3A_276 : memref<1x1x128xf32, #tpu.memory_space<vmem>> -> memref<1x128xf32, #tpu.memory_space<vmem>>
          %dma_start3A_278 = arith.constant 0 : i32
          %dma_start3A_279 = arith.constant 0 : i32
          %dma_start3A_280 = tpu.memref_slice %arg3[%add3A_238, %dma_start3A_278, %dma_start3A_279] : memref<1024x1x128xf32, #tpu.memory_space<hbm>> -> memref<1x1x128xf32, #tpu.memory_space<hbm>>
          %dma_start3A_281 = tpu.memref_squeeze %dma_start3A_280 : memref<1x1x128xf32, #tpu.memory_space<hbm>> -> memref<1x128xf32, #tpu.memory_space<hbm>>
          tpu.enqueue_dma source(%dma_start3A_281 : memref<1x128xf32, #tpu.memory_space<hbm>>) target(%dma_start3A_277 : memref<1x128xf32, #tpu.memory_space<vmem>>) target_semaphore(%run_scoped3A_265 : memref<!tpu.dma_semaphore, #tpu.memory_space<semaphore_mem>>)
          %dma_wait3A_282 = arith.constant 0 : i32
          %dma_wait3A_283 = arith.constant 0 : i32
          %dma_wait3A_284 = tpu.memref_slice %arg10[%select_n3A_179, %dma_wait3A_282, %dma_wait3A_283] : memref<3x201x128xf32, #tpu.memory_space<vmem>> -> memref<1x1x128xf32, #tpu.memory_space<vmem>>
          %dma_wait3A_285 = tpu.memref_squeeze %dma_wait3A_284 : memref<1x1x128xf32, #tpu.memory_space<vmem>> -> memref<1x128xf32, #tpu.memory_space<vmem>>
          %dma_wait3A_286 = arith.constant 0 : i32
          %dma_wait3A_287 = arith.constant 0 : i32
          %dma_wait3A_288 = tpu.memref_slice %arg3[%add3A_238, %dma_wait3A_286, %dma_wait3A_287] : memref<1024x1x128xf32, #tpu.memory_space<hbm>> -> memref<1x1x128xf32, #tpu.memory_space<hbm>>
          %dma_wait3A_289 = tpu.memref_squeeze %dma_wait3A_288 : memref<1x1x128xf32, #tpu.memory_space<hbm>> -> memref<1x128xf32, #tpu.memory_space<hbm>>
          %dma_wait3A_290 = arith.constant 0 : i32
          %dma_wait3A_291 = arith.constant 0 : i32
          %dma_wait3A_292 = tpu.memref_slice %arg10[%select_n3A_179, %dma_wait3A_290, %dma_wait3A_291] : memref<3x201x128xf32, #tpu.memory_space<vmem>> -> memref<1x1x128xf32, #tpu.memory_space<vmem>>
          %dma_wait3A_293 = tpu.memref_squeeze %dma_wait3A_292 : memref<1x1x128xf32, #tpu.memory_space<vmem>> -> memref<1x128xf32, #tpu.memory_space<vmem>>
          %dma_wait3A_294 = arith.constant 0 : i32
          %dma_wait3A_295 = arith.constant 0 : i32
          %dma_wait3A_296 = tpu.memref_slice %arg3[%add3A_238, %dma_wait3A_294, %dma_wait3A_295] : memref<1024x1x128xf32, #tpu.memory_space<hbm>> -> memref<1x1x128xf32, #tpu.memory_space<hbm>>
          %dma_wait3A_297 = tpu.memref_squeeze %dma_wait3A_296 : memref<1x1x128xf32, #tpu.memory_space<hbm>> -> memref<1x128xf32, #tpu.memory_space<hbm>>
          tpu.wait_dma2 semaphore(%run_scoped3A_265 : memref<!tpu.dma_semaphore, #tpu.memory_space<semaphore_mem>>) src(%dma_wait3A_297 : memref<1x128xf32, #tpu.memory_space<hbm>>) dst(%dma_wait3A_293 : memref<1x128xf32, #tpu.memory_space<vmem>>)
          tpu.yield
        }) : () -> ()
        %dma_start3A_239 = arith.constant 0 : i32
        %dma_start3A_240 = arith.constant 1 : i32
        %dma_start3A_241 = arith.constant 0 : i32
        %dma_start3A_242 = tpu.memref_slice %arg10[%select_n3A_179, %dma_start3A_240, %dma_start3A_241] : memref<3x201x128xf32, #tpu.memory_space<vmem>> -> memref<1x100x128xf32, #tpu.memory_space<vmem>>
        %dma_start3A_243 = tpu.memref_squeeze %dma_start3A_242 : memref<1x100x128xf32, #tpu.memory_space<vmem>> -> memref<100x128xf32, #tpu.memory_space<vmem>>
        %dma_start3A_244 = arith.constant 0 : i32
        %dma_start3A_245 = tpu.memref_slice %arg9[%select_n3A_179, %dma_start3A_239, %dma_start3A_244] : memref<3x2x100xi32, #tpu.memory_space<vmem>> -> memref<1x1x100xi32, #tpu.memory_space<vmem>>
        %dma_start3A_246 = tpu.memref_squeeze %dma_start3A_245 : memref<1x1x100xi32, #tpu.memory_space<vmem>> -> memref<100xi32, #tpu.memory_space<vmem>>
        %dma_start3A_247 = arith.constant 0 : i32
        %dma_start3A_248 = arith.constant 0 : i32
        %dma_start3A_249 = tpu.memref_slice %arg4[%dma_start3A_247, %dma_start3A_248] : memref<100000x128xf32, #tpu.memory_space<hbm>> -> memref<100000x128xf32, #tpu.memory_space<hbm>>
        %dma_start3A_250 = tpu.memref_slice %arg14[%select_n3A_179] : memref<3x!tpu.dma_semaphore, #tpu.memory_space<semaphore_mem>> -> memref<1x!tpu.dma_semaphore, #tpu.memory_space<semaphore_mem>>
        %dma_start3A_251 = tpu.memref_squeeze %dma_start3A_250 : memref<1x!tpu.dma_semaphore, #tpu.memory_space<semaphore_mem>> -> memref<!tpu.dma_semaphore, #tpu.memory_space<semaphore_mem>>
        tpu.enqueue_indirect_dma source(%dma_start3A_249 : memref<100000x128xf32, #tpu.memory_space<hbm>>) target(%dma_start3A_243 : memref<100x128xf32, #tpu.memory_space<vmem>>) offsets(%dma_start3A_246 : memref<100xi32, #tpu.memory_space<vmem>>) semaphore(%dma_start3A_251 : memref<!tpu.dma_semaphore, #tpu.memory_space<semaphore_mem>>)
        %dma_start3A_252 = arith.constant 1 : i32
        %dma_start3A_253 = arith.constant 101 : i32
        %dma_start3A_254 = arith.constant 0 : i32
        %dma_start3A_255 = tpu.memref_slice %arg10[%select_n3A_179, %dma_start3A_253, %dma_start3A_254] : memref<3x201x128xf32, #tpu.memory_space<vmem>> -> memref<1x100x128xf32, #tpu.memory_space<vmem>>
        %dma_start3A_256 = tpu.memref_squeeze %dma_start3A_255 : memref<1x100x128xf32, #tpu.memory_space<vmem>> -> memref<100x128xf32, #tpu.memory_space<vmem>>
        %dma_start3A_257 = arith.constant 0 : i32
        %dma_start3A_258 = tpu.memref_slice %arg9[%select_n3A_179, %dma_start3A_252, %dma_start3A_257] : memref<3x2x100xi32, #tpu.memory_space<vmem>> -> memref<1x1x100xi32, #tpu.memory_space<vmem>>
        %dma_start3A_259 = tpu.memref_squeeze %dma_start3A_258 : memref<1x1x100xi32, #tpu.memory_space<vmem>> -> memref<100xi32, #tpu.memory_space<vmem>>
        %dma_start3A_260 = arith.constant 0 : i32
        %dma_start3A_261 = arith.constant 0 : i32
        %dma_start3A_262 = tpu.memref_slice %arg4[%dma_start3A_260, %dma_start3A_261] : memref<100000x128xf32, #tpu.memory_space<hbm>> -> memref<100000x128xf32, #tpu.memory_space<hbm>>
        %dma_start3A_263 = tpu.memref_slice %arg14[%select_n3A_179] : memref<3x!tpu.dma_semaphore, #tpu.memory_space<semaphore_mem>> -> memref<1x!tpu.dma_semaphore, #tpu.memory_space<semaphore_mem>>
        %dma_start3A_264 = tpu.memref_squeeze %dma_start3A_263 : memref<1x!tpu.dma_semaphore, #tpu.memory_space<semaphore_mem>> -> memref<!tpu.dma_semaphore, #tpu.memory_space<semaphore_mem>>
        tpu.enqueue_indirect_dma source(%dma_start3A_262 : memref<100000x128xf32, #tpu.memory_space<hbm>>) target(%dma_start3A_256 : memref<100x128xf32, #tpu.memory_space<vmem>>) offsets(%dma_start3A_259 : memref<100xi32, #tpu.memory_space<vmem>>) semaphore(%dma_start3A_264 : memref<!tpu.dma_semaphore, #tpu.memory_space<semaphore_mem>>)
      } else {
      }
      %dma_wait3A_185 = arith.constant 0 : i32
      %dma_wait3A_186 = arith.constant 1 : i32
      %dma_wait3A_187 = arith.constant 0 : i32
      %dma_wait3A_188 = tpu.memref_slice %arg10[%select_n3A_161, %dma_wait3A_186, %dma_wait3A_187] : memref<3x201x128xf32, #tpu.memory_space<vmem>> -> memref<1x100x128xf32, #tpu.memory_space<vmem>>
      %dma_wait3A_189 = tpu.memref_squeeze %dma_wait3A_188 : memref<1x100x128xf32, #tpu.memory_space<vmem>> -> memref<100x128xf32, #tpu.memory_space<vmem>>
      %dma_wait3A_190 = arith.constant 0 : i32
      %dma_wait3A_191 = tpu.memref_slice %arg9[%select_n3A_161, %dma_wait3A_185, %dma_wait3A_190] : memref<3x2x100xi32, #tpu.memory_space<vmem>> -> memref<1x1x100xi32, #tpu.memory_space<vmem>>
      %dma_wait3A_192 = tpu.memref_squeeze %dma_wait3A_191 : memref<1x1x100xi32, #tpu.memory_space<vmem>> -> memref<100xi32, #tpu.memory_space<vmem>>
      %dma_wait3A_193 = arith.constant 0 : i32
      %dma_wait3A_194 = arith.constant 0 : i32
      %dma_wait3A_195 = tpu.memref_slice %arg4[%dma_wait3A_193, %dma_wait3A_194] : memref<100000x128xf32, #tpu.memory_space<hbm>> -> memref<100000x128xf32, #tpu.memory_space<hbm>>
      %dma_wait3A_196 = tpu.memref_slice %arg14[%select_n3A_161] : memref<3x!tpu.dma_semaphore, #tpu.memory_space<semaphore_mem>> -> memref<1x!tpu.dma_semaphore, #tpu.memory_space<semaphore_mem>>
      %dma_wait3A_197 = tpu.memref_squeeze %dma_wait3A_196 : memref<1x!tpu.dma_semaphore, #tpu.memory_space<semaphore_mem>> -> memref<!tpu.dma_semaphore, #tpu.memory_space<semaphore_mem>>
      tpu.wait_indirect_dma semaphore(%dma_wait3A_197 : memref<!tpu.dma_semaphore, #tpu.memory_space<semaphore_mem>>) src(%dma_wait3A_195 : memref<100000x128xf32, #tpu.memory_space<hbm>>) dst(%dma_wait3A_189 : memref<100x128xf32, #tpu.memory_space<vmem>>)
      %dma_wait3A_198 = arith.constant 1 : i32
      %dma_wait3A_199 = arith.constant 101 : i32
      %dma_wait3A_200 = arith.constant 0 : i32
      %dma_wait3A_201 = tpu.memref_slice %arg10[%select_n3A_161, %dma_wait3A_199, %dma_wait3A_200] : memref<3x201x128xf32, #tpu.memory_space<vmem>> -> memref<1x100x128xf32, #tpu.memory_space<vmem>>
      %dma_wait3A_202 = tpu.memref_squeeze %dma_wait3A_201 : memref<1x100x128xf32, #tpu.memory_space<vmem>> -> memref<100x128xf32, #tpu.memory_space<vmem>>
      %dma_wait3A_203 = arith.constant 0 : i32
      %dma_wait3A_204 = tpu.memref_slice %arg9[%select_n3A_161, %dma_wait3A_198, %dma_wait3A_203] : memref<3x2x100xi32, #tpu.memory_space<vmem>> -> memref<1x1x100xi32, #tpu.memory_space<vmem>>
      %dma_wait3A_205 = tpu.memref_squeeze %dma_wait3A_204 : memref<1x1x100xi32, #tpu.memory_space<vmem>> -> memref<100xi32, #tpu.memory_space<vmem>>
      %dma_wait3A_206 = arith.constant 0 : i32
      %dma_wait3A_207 = arith.constant 0 : i32
      %dma_wait3A_208 = tpu.memref_slice %arg4[%dma_wait3A_206, %dma_wait3A_207] : memref<100000x128xf32, #tpu.memory_space<hbm>> -> memref<100000x128xf32, #tpu.memory_space<hbm>>
      %dma_wait3A_209 = tpu.memref_slice %arg14[%select_n3A_161] : memref<3x!tpu.dma_semaphore, #tpu.memory_space<semaphore_mem>> -> memref<1x!tpu.dma_semaphore, #tpu.memory_space<semaphore_mem>>
      %dma_wait3A_210 = tpu.memref_squeeze %dma_wait3A_209 : memref<1x!tpu.dma_semaphore, #tpu.memory_space<semaphore_mem>> -> memref<!tpu.dma_semaphore, #tpu.memory_space<semaphore_mem>>
      tpu.wait_indirect_dma semaphore(%dma_wait3A_210 : memref<!tpu.dma_semaphore, #tpu.memory_space<semaphore_mem>>) src(%dma_wait3A_208 : memref<100000x128xf32, #tpu.memory_space<hbm>>) dst(%dma_wait3A_202 : memref<100x128xf32, #tpu.memory_space<vmem>>)
      %parallel_loop3A = arith.constant 0 : i32
      %parallel_loop3A_211 = arith.constant 201 : i32
      %parallel_loop3A_212 = arith.constant 1 : i32
      scf.for %parallel_loop3A_232 = %parallel_loop3A to %parallel_loop3A_211 step %parallel_loop3A_212  : i32 {
        %parallel_loop3A_233 = arith.index_cast %select_n3A_161 : i32 to index
        %parallel_loop3A_234 = arith.index_cast %parallel_loop3A_232 : i32 to index
        %parallel_loop3A_235 = arith.constant 0 : index
        %parallel_loop3A_236 = tpu.vector_load %arg10[%parallel_loop3A_233, %parallel_loop3A_234, %parallel_loop3A_235] {strides = array<i32>} : memref<3x201x128xf32, #tpu.memory_space<vmem>>, vector<1x1x16xf32>,
        %parallel_loop3A_237 = vector.shape_cast %parallel_loop3A_236 : vector<1x1x16xf32> to vector<16xf32>
        %parallel_loop3A_238 = arith.index_cast %parallel_loop3A_232 : i32 to index
        %parallel_loop3A_239 = arith.constant 0 : index
        %parallel_loop3A_240 = tpu.vector_load %arg11[%parallel_loop3A_238, %parallel_loop3A_239] {strides = array<i32>} : memref<201x128xf32, #tpu.memory_space<vmem>>, vector<1x16xf32>,
        %parallel_loop3A_241 = vector.shape_cast %parallel_loop3A_240 : vector<1x16xf32> to vector<16xf32>
        %parallel_loop3A_242 = arith.addf %parallel_loop3A_237, %parallel_loop3A_241 : vector<16xf32>
        %parallel_loop3A_243 = arith.index_cast %select_n3A_161 : i32 to index
        %parallel_loop3A_244 = arith.index_cast %parallel_loop3A_232 : i32 to index
        %parallel_loop3A_245 = arith.constant 16 : index
        %parallel_loop3A_246 = tpu.vector_load %arg10[%parallel_loop3A_243, %parallel_loop3A_244, %parallel_loop3A_245] {strides = array<i32>} : memref<3x201x128xf32, #tpu.memory_space<vmem>>, vector<1x1x16xf32>,
        %parallel_loop3A_247 = vector.shape_cast %parallel_loop3A_246 : vector<1x1x16xf32> to vector<16xf32>
        %parallel_loop3A_248 = arith.index_cast %parallel_loop3A_232 : i32 to index
        %parallel_loop3A_249 = arith.constant 16 : index
        %parallel_loop3A_250 = tpu.vector_load %arg11[%parallel_loop3A_248, %parallel_loop3A_249] {strides = array<i32>} : memref<201x128xf32, #tpu.memory_space<vmem>>, vector<1x16xf32>,
        %parallel_loop3A_251 = vector.shape_cast %parallel_loop3A_250 : vector<1x16xf32> to vector<16xf32>
        %parallel_loop3A_252 = arith.addf %parallel_loop3A_247, %parallel_loop3A_251 : vector<16xf32>
        %parallel_loop3A_253 = arith.index_cast %select_n3A_161 : i32 to index
        %parallel_loop3A_254 = arith.index_cast %parallel_loop3A_232 : i32 to index
        %parallel_loop3A_255 = arith.constant 32 : index
        %parallel_loop3A_256 = tpu.vector_load %arg10[%parallel_loop3A_253, %parallel_loop3A_254, %parallel_loop3A_255] {strides = array<i32>} : memref<3x201x128xf32, #tpu.memory_space<vmem>>, vector<1x1x16xf32>,
        %parallel_loop3A_257 = vector.shape_cast %parallel_loop3A_256 : vector<1x1x16xf32> to vector<16xf32>
        %parallel_loop3A_258 = arith.index_cast %parallel_loop3A_232 : i32 to index
        %parallel_loop3A_259 = arith.constant 32 : index
        %parallel_loop3A_260 = tpu.vector_load %arg11[%parallel_loop3A_258, %parallel_loop3A_259] {strides = array<i32>} : memref<201x128xf32, #tpu.memory_space<vmem>>, vector<1x16xf32>,
        %parallel_loop3A_261 = vector.shape_cast %parallel_loop3A_260 : vector<1x16xf32> to vector<16xf32>
        %parallel_loop3A_262 = arith.addf %parallel_loop3A_257, %parallel_loop3A_261 : vector<16xf32>
        %parallel_loop3A_263 = arith.index_cast %select_n3A_161 : i32 to index
        %parallel_loop3A_264 = arith.index_cast %parallel_loop3A_232 : i32 to index
        %parallel_loop3A_265 = arith.constant 48 : index
        %parallel_loop3A_266 = tpu.vector_load %arg10[%parallel_loop3A_263, %parallel_loop3A_264, %parallel_loop3A_265] {strides = array<i32>} : memref<3x201x128xf32, #tpu.memory_space<vmem>>, vector<1x1x16xf32>,
        %parallel_loop3A_267 = vector.shape_cast %parallel_loop3A_266 : vector<1x1x16xf32> to vector<16xf32>
        %parallel_loop3A_268 = arith.index_cast %parallel_loop3A_232 : i32 to index
        %parallel_loop3A_269 = arith.constant 48 : index
        %parallel_loop3A_270 = tpu.vector_load %arg11[%parallel_loop3A_268, %parallel_loop3A_269] {strides = array<i32>} : memref<201x128xf32, #tpu.memory_space<vmem>>, vector<1x16xf32>,
        %parallel_loop3A_271 = vector.shape_cast %parallel_loop3A_270 : vector<1x16xf32> to vector<16xf32>
        %parallel_loop3A_272 = arith.addf %parallel_loop3A_267, %parallel_loop3A_271 : vector<16xf32>
        %parallel_loop3A_273 = arith.index_cast %select_n3A_161 : i32 to index
        %parallel_loop3A_274 = arith.index_cast %parallel_loop3A_232 : i32 to index
        %parallel_loop3A_275 = arith.constant 64 : index
        %parallel_loop3A_276 = tpu.vector_load %arg10[%parallel_loop3A_273, %parallel_loop3A_274, %parallel_loop3A_275] {strides = array<i32>} : memref<3x201x128xf32, #tpu.memory_space<vmem>>, vector<1x1x16xf32>,
        %parallel_loop3A_277 = vector.shape_cast %parallel_loop3A_276 : vector<1x1x16xf32> to vector<16xf32>
        %parallel_loop3A_278 = arith.index_cast %parallel_loop3A_232 : i32 to index
        %parallel_loop3A_279 = arith.constant 64 : index
        %parallel_loop3A_280 = tpu.vector_load %arg11[%parallel_loop3A_278, %parallel_loop3A_279] {strides = array<i32>} : memref<201x128xf32, #tpu.memory_space<vmem>>, vector<1x16xf32>,
        %parallel_loop3A_281 = vector.shape_cast %parallel_loop3A_280 : vector<1x16xf32> to vector<16xf32>
        %parallel_loop3A_282 = arith.addf %parallel_loop3A_277, %parallel_loop3A_281 : vector<16xf32>
        %parallel_loop3A_283 = arith.index_cast %select_n3A_161 : i32 to index
        %parallel_loop3A_284 = arith.index_cast %parallel_loop3A_232 : i32 to index
        %parallel_loop3A_285 = arith.constant 80 : index
        %parallel_loop3A_286 = tpu.vector_load %arg10[%parallel_loop3A_283, %parallel_loop3A_284, %parallel_loop3A_285] {strides = array<i32>} : memref<3x201x128xf32, #tpu.memory_space<vmem>>, vector<1x1x16xf32>,
        %parallel_loop3A_287 = vector.shape_cast %parallel_loop3A_286 : vector<1x1x16xf32> to vector<16xf32>
        %parallel_loop3A_288 = arith.index_cast %parallel_loop3A_232 : i32 to index
        %parallel_loop3A_289 = arith.constant 80 : index
        %parallel_loop3A_290 = tpu.vector_load %arg11[%parallel_loop3A_288, %parallel_loop3A_289] {strides = array<i32>} : memref<201x128xf32, #tpu.memory_space<vmem>>, vector<1x16xf32>,
        %parallel_loop3A_291 = vector.shape_cast %parallel_loop3A_290 : vector<1x16xf32> to vector<16xf32>
        %parallel_loop3A_292 = arith.addf %parallel_loop3A_287, %parallel_loop3A_291 : vector<16xf32>
        %parallel_loop3A_293 = arith.index_cast %select_n3A_161 : i32 to index
        %parallel_loop3A_294 = arith.index_cast %parallel_loop3A_232 : i32 to index
        %parallel_loop3A_295 = arith.constant 96 : index
        %parallel_loop3A_296 = tpu.vector_load %arg10[%parallel_loop3A_293, %parallel_loop3A_294, %parallel_loop3A_295] {strides = array<i32>} : memref<3x201x128xf32, #tpu.memory_space<vmem>>, vector<1x1x16xf32>,
        %parallel_loop3A_297 = vector.shape_cast %parallel_loop3A_296 : vector<1x1x16xf32> to vector<16xf32>
        %parallel_loop3A_298 = arith.index_cast %parallel_loop3A_232 : i32 to index
        %parallel_loop3A_299 = arith.constant 96 : index
        %parallel_loop3A_300 = tpu.vector_load %arg11[%parallel_loop3A_298, %parallel_loop3A_299] {strides = array<i32>} : memref<201x128xf32, #tpu.memory_space<vmem>>, vector<1x16xf32>,
        %parallel_loop3A_301 = vector.shape_cast %parallel_loop3A_300 : vector<1x16xf32> to vector<16xf32>
        %parallel_loop3A_302 = arith.addf %parallel_loop3A_297, %parallel_loop3A_301 : vector<16xf32>
        %parallel_loop3A_303 = arith.index_cast %select_n3A_161 : i32 to index
        %parallel_loop3A_304 = arith.index_cast %parallel_loop3A_232 : i32 to index
        %parallel_loop3A_305 = arith.constant 112 : index
        %parallel_loop3A_306 = tpu.vector_load %arg10[%parallel_loop3A_303, %parallel_loop3A_304, %parallel_loop3A_305] {strides = array<i32>} : memref<3x201x128xf32, #tpu.memory_space<vmem>>, vector<1x1x16xf32>,
        %parallel_loop3A_307 = vector.shape_cast %parallel_loop3A_306 : vector<1x1x16xf32> to vector<16xf32>
        %parallel_loop3A_308 = arith.index_cast %parallel_loop3A_232 : i32 to index
        %parallel_loop3A_309 = arith.constant 112 : index
        %parallel_loop3A_310 = tpu.vector_load %arg11[%parallel_loop3A_308, %parallel_loop3A_309] {strides = array<i32>} : memref<201x128xf32, #tpu.memory_space<vmem>>, vector<1x16xf32>,
        %parallel_loop3A_311 = vector.shape_cast %parallel_loop3A_310 : vector<1x16xf32> to vector<16xf32>
        %parallel_loop3A_312 = arith.addf %parallel_loop3A_307, %parallel_loop3A_311 : vector<16xf32>
        %parallel_loop3A_313 = arith.addf %parallel_loop3A_242, %parallel_loop3A_252 : vector<16xf32>
        %parallel_loop3A_314 = arith.addf %parallel_loop3A_262, %parallel_loop3A_272 : vector<16xf32>
        %parallel_loop3A_315 = arith.addf %parallel_loop3A_313, %parallel_loop3A_314 : vector<16xf32>
        %parallel_loop3A_316 = arith.addf %parallel_loop3A_282, %parallel_loop3A_292 : vector<16xf32>
        %parallel_loop3A_317 = arith.addf %parallel_loop3A_302, %parallel_loop3A_312 : vector<16xf32>
        %parallel_loop3A_318 = arith.addf %parallel_loop3A_316, %parallel_loop3A_317 : vector<16xf32>
        %parallel_loop3A_319 = arith.addf %parallel_loop3A_315, %parallel_loop3A_318 : vector<16xf32>
        %parallel_loop3A_320 = arith.mulf %parallel_loop3A_242, %parallel_loop3A_242 : vector<16xf32>
        %parallel_loop3A_321 = arith.mulf %parallel_loop3A_252, %parallel_loop3A_252 : vector<16xf32>
        %parallel_loop3A_322 = arith.mulf %parallel_loop3A_262, %parallel_loop3A_262 : vector<16xf32>
        %parallel_loop3A_323 = arith.mulf %parallel_loop3A_272, %parallel_loop3A_272 : vector<16xf32>
        %parallel_loop3A_324 = arith.mulf %parallel_loop3A_282, %parallel_loop3A_282 : vector<16xf32>
        %parallel_loop3A_325 = arith.mulf %parallel_loop3A_292, %parallel_loop3A_292 : vector<16xf32>
        %parallel_loop3A_326 = arith.mulf %parallel_loop3A_302, %parallel_loop3A_302 : vector<16xf32>
        %parallel_loop3A_327 = arith.mulf %parallel_loop3A_312, %parallel_loop3A_312 : vector<16xf32>
        %parallel_loop3A_328 = arith.addf %parallel_loop3A_320, %parallel_loop3A_321 : vector<16xf32>
        %parallel_loop3A_329 = arith.addf %parallel_loop3A_322, %parallel_loop3A_323 : vector<16xf32>
        %parallel_loop3A_330 = arith.addf %parallel_loop3A_328, %parallel_loop3A_329 : vector<16xf32>
        %parallel_loop3A_331 = arith.addf %parallel_loop3A_324, %parallel_loop3A_325 : vector<16xf32>
        %parallel_loop3A_332 = arith.addf %parallel_loop3A_326, %parallel_loop3A_327 : vector<16xf32>
        %parallel_loop3A_333 = arith.addf %parallel_loop3A_331, %parallel_loop3A_332 : vector<16xf32>
        %parallel_loop3A_334 = arith.addf %parallel_loop3A_330, %parallel_loop3A_333 : vector<16xf32>
        %parallel_loop3A_335 = tpu.iota {dimensions = array<i32: 0>} : vector<16xi32>
        %parallel_loop3A_336 = arith.constant 8 : i32
        %parallel_loop3A_337 = vector.broadcast %parallel_loop3A_336 : i32 to vector<16xi32>
        %parallel_loop3A_338 = arith.addi %parallel_loop3A_335, %parallel_loop3A_337 : vector<16xi32>
        %parallel_loop3A_339 = arith.constant 15 : i32
        %parallel_loop3A_340 = vector.broadcast %parallel_loop3A_339 : i32 to vector<16xi32>
        %parallel_loop3A_341 = arith.andi %parallel_loop3A_338, %parallel_loop3A_340 : vector<16xi32>
        %parallel_loop3A_342 = vector.shape_cast %parallel_loop3A_341 : vector<16xi32> to vector<16x1xi32>
        %parallel_loop3A_343 = vector.shape_cast %parallel_loop3A_342 : vector<16x1xi32> to vector<16xi32>
        %parallel_loop3A_344 = tpu.dynamic_gather %parallel_loop3A_319[%parallel_loop3A_343] in [0] : vector<16xf32>, vector<16xi32> -> vector<16xf32>
        %parallel_loop3A_345 = arith.addf %parallel_loop3A_319, %parallel_loop3A_344 : vector<16xf32>
        %parallel_loop3A_346 = arith.constant 4 : i32
        %parallel_loop3A_347 = vector.broadcast %parallel_loop3A_346 : i32 to vector<16xi32>
        %parallel_loop3A_348 = arith.addi %parallel_loop3A_335, %parallel_loop3A_347 : vector<16xi32>
        %parallel_loop3A_349 = arith.constant 15 : i32
        %parallel_loop3A_350 = vector.broadcast %parallel_loop3A_349 : i32 to vector<16xi32>
        %parallel_loop3A_351 = arith.andi %parallel_loop3A_348, %parallel_loop3A_350 : vector<16xi32>
        %parallel_loop3A_352 = vector.shape_cast %parallel_loop3A_351 : vector<16xi32> to vector<16x1xi32>
        %parallel_loop3A_353 = vector.shape_cast %parallel_loop3A_352 : vector<16x1xi32> to vector<16xi32>
        %parallel_loop3A_354 = tpu.dynamic_gather %parallel_loop3A_345[%parallel_loop3A_353] in [0] : vector<16xf32>, vector<16xi32> -> vector<16xf32>
        %parallel_loop3A_355 = arith.addf %parallel_loop3A_345, %parallel_loop3A_354 : vector<16xf32>
        %parallel_loop3A_356 = arith.constant 2 : i32
        %parallel_loop3A_357 = vector.broadcast %parallel_loop3A_356 : i32 to vector<16xi32>
        %parallel_loop3A_358 = arith.addi %parallel_loop3A_335, %parallel_loop3A_357 : vector<16xi32>
        %parallel_loop3A_359 = arith.constant 15 : i32
        %parallel_loop3A_360 = vector.broadcast %parallel_loop3A_359 : i32 to vector<16xi32>
        %parallel_loop3A_361 = arith.andi %parallel_loop3A_358, %parallel_loop3A_360 : vector<16xi32>
        %parallel_loop3A_362 = vector.shape_cast %parallel_loop3A_361 : vector<16xi32> to vector<16x1xi32>
        %parallel_loop3A_363 = vector.shape_cast %parallel_loop3A_362 : vector<16x1xi32> to vector<16xi32>
        %parallel_loop3A_364 = tpu.dynamic_gather %parallel_loop3A_355[%parallel_loop3A_363] in [0] : vector<16xf32>, vector<16xi32> -> vector<16xf32>
        %parallel_loop3A_365 = arith.addf %parallel_loop3A_355, %parallel_loop3A_364 : vector<16xf32>
        %parallel_loop3A_366 = arith.constant 1 : i32
        %parallel_loop3A_367 = vector.broadcast %parallel_loop3A_366 : i32 to vector<16xi32>
        %parallel_loop3A_368 = arith.addi %parallel_loop3A_335, %parallel_loop3A_367 : vector<16xi32>
        %parallel_loop3A_369 = arith.constant 15 : i32
        %parallel_loop3A_370 = vector.broadcast %parallel_loop3A_369 : i32 to vector<16xi32>
        %parallel_loop3A_371 = arith.andi %parallel_loop3A_368, %parallel_loop3A_370 : vector<16xi32>
        %parallel_loop3A_372 = vector.shape_cast %parallel_loop3A_371 : vector<16xi32> to vector<16x1xi32>
        %parallel_loop3A_373 = vector.shape_cast %parallel_loop3A_372 : vector<16x1xi32> to vector<16xi32>
        %parallel_loop3A_374 = tpu.dynamic_gather %parallel_loop3A_365[%parallel_loop3A_373] in [0] : vector<16xf32>, vector<16xi32> -> vector<16xf32>
        %parallel_loop3A_375 = arith.addf %parallel_loop3A_365, %parallel_loop3A_374 : vector<16xf32>
        %parallel_loop3A_376 = arith.constant 7.812500e-03 : f32
        %parallel_loop3A_377 = vector.broadcast %parallel_loop3A_376 : f32 to vector<16xf32>
        %parallel_loop3A_378 = arith.mulf %parallel_loop3A_375, %parallel_loop3A_377 : vector<16xf32>
        %parallel_loop3A_379 = tpu.iota {dimensions = array<i32: 0>} : vector<16xi32>
        %parallel_loop3A_380 = arith.constant 8 : i32
        %parallel_loop3A_381 = vector.broadcast %parallel_loop3A_380 : i32 to vector<16xi32>
        %parallel_loop3A_382 = arith.addi %parallel_loop3A_379, %parallel_loop3A_381 : vector<16xi32>
        %parallel_loop3A_383 = arith.constant 15 : i32
        %parallel_loop3A_384 = vector.broadcast %parallel_loop3A_383 : i32 to vector<16xi32>
        %parallel_loop3A_385 = arith.andi %parallel_loop3A_382, %parallel_loop3A_384 : vector<16xi32>
        %parallel_loop3A_386 = vector.shape_cast %parallel_loop3A_385 : vector<16xi32> to vector<16x1xi32>
        %parallel_loop3A_387 = vector.shape_cast %parallel_loop3A_386 : vector<16x1xi32> to vector<16xi32>
        %parallel_loop3A_388 = tpu.dynamic_gather %parallel_loop3A_334[%parallel_loop3A_387] in [0] : vector<16xf32>, vector<16xi32> -> vector<16xf32>
        %parallel_loop3A_389 = arith.addf %parallel_loop3A_334, %parallel_loop3A_388 : vector<16xf32>
        %parallel_loop3A_390 = arith.constant 4 : i32
        %parallel_loop3A_391 = vector.broadcast %parallel_loop3A_390 : i32 to vector<16xi32>
        %parallel_loop3A_392 = arith.addi %parallel_loop3A_379, %parallel_loop3A_391 : vector<16xi32>
        %parallel_loop3A_393 = arith.constant 15 : i32
        %parallel_loop3A_394 = vector.broadcast %parallel_loop3A_393 : i32 to vector<16xi32>
        %parallel_loop3A_395 = arith.andi %parallel_loop3A_392, %parallel_loop3A_394 : vector<16xi32>
        %parallel_loop3A_396 = vector.shape_cast %parallel_loop3A_395 : vector<16xi32> to vector<16x1xi32>
        %parallel_loop3A_397 = vector.shape_cast %parallel_loop3A_396 : vector<16x1xi32> to vector<16xi32>
        %parallel_loop3A_398 = tpu.dynamic_gather %parallel_loop3A_389[%parallel_loop3A_397] in [0] : vector<16xf32>, vector<16xi32> -> vector<16xf32>
        %parallel_loop3A_399 = arith.addf %parallel_loop3A_389, %parallel_loop3A_398 : vector<16xf32>
        %parallel_loop3A_400 = arith.constant 2 : i32
        %parallel_loop3A_401 = vector.broadcast %parallel_loop3A_400 : i32 to vector<16xi32>
        %parallel_loop3A_402 = arith.addi %parallel_loop3A_379, %parallel_loop3A_401 : vector<16xi32>
        %parallel_loop3A_403 = arith.constant 15 : i32
        %parallel_loop3A_404 = vector.broadcast %parallel_loop3A_403 : i32 to vector<16xi32>
        %parallel_loop3A_405 = arith.andi %parallel_loop3A_402, %parallel_loop3A_404 : vector<16xi32>
        %parallel_loop3A_406 = vector.shape_cast %parallel_loop3A_405 : vector<16xi32> to vector<16x1xi32>
        %parallel_loop3A_407 = vector.shape_cast %parallel_loop3A_406 : vector<16x1xi32> to vector<16xi32>
        %parallel_loop3A_408 = tpu.dynamic_gather %parallel_loop3A_399[%parallel_loop3A_407] in [0] : vector<16xf32>, vector<16xi32> -> vector<16xf32>
        %parallel_loop3A_409 = arith.addf %parallel_loop3A_399, %parallel_loop3A_408 : vector<16xf32>
        %parallel_loop3A_410 = arith.constant 1 : i32
        %parallel_loop3A_411 = vector.broadcast %parallel_loop3A_410 : i32 to vector<16xi32>
        %parallel_loop3A_412 = arith.addi %parallel_loop3A_379, %parallel_loop3A_411 : vector<16xi32>
        %parallel_loop3A_413 = arith.constant 15 : i32
        %parallel_loop3A_414 = vector.broadcast %parallel_loop3A_413 : i32 to vector<16xi32>
        %parallel_loop3A_415 = arith.andi %parallel_loop3A_412, %parallel_loop3A_414 : vector<16xi32>
        %parallel_loop3A_416 = vector.shape_cast %parallel_loop3A_415 : vector<16xi32> to vector<16x1xi32>
        %parallel_loop3A_417 = vector.shape_cast %parallel_loop3A_416 : vector<16x1xi32> to vector<16xi32>
        %parallel_loop3A_418 = tpu.dynamic_gather %parallel_loop3A_409[%parallel_loop3A_417] in [0] : vector<16xf32>, vector<16xi32> -> vector<16xf32>
        %parallel_loop3A_419 = arith.addf %parallel_loop3A_409, %parallel_loop3A_418 : vector<16xf32>
        %parallel_loop3A_420 = arith.constant 7.812500e-03 : f32
        %parallel_loop3A_421 = vector.broadcast %parallel_loop3A_420 : f32 to vector<16xf32>
        %parallel_loop3A_422 = arith.mulf %parallel_loop3A_419, %parallel_loop3A_421 : vector<16xf32>
        %parallel_loop3A_423 = arith.mulf %parallel_loop3A_378, %parallel_loop3A_378 : vector<16xf32>
        %parallel_loop3A_424 = arith.subf %parallel_loop3A_422, %parallel_loop3A_423 : vector<16xf32>
        %parallel_loop3A_425 = arith.constant 9.99999996E-13 : f32
        %parallel_loop3A_426 = vector.broadcast %parallel_loop3A_425 : f32 to vector<16xf32>
        %parallel_loop3A_427 = arith.addf %parallel_loop3A_424, %parallel_loop3A_426 : vector<16xf32>
        %parallel_loop3A_428 = tpu.bitcast %parallel_loop3A_427 : vector<16xf32> -> vector<16xi32>
        %parallel_loop3A_429 = arith.constant 1 : i32
        %parallel_loop3A_430 = vector.broadcast %parallel_loop3A_429 : i32 to vector<16xi32>
        %parallel_loop3A_431 = arith.shrsi %parallel_loop3A_428, %parallel_loop3A_430 : vector<16xi32>
        %parallel_loop3A_432 = arith.constant 1597463007 : i32
        %parallel_loop3A_433 = vector.broadcast %parallel_loop3A_432 : i32 to vector<16xi32>
        %parallel_loop3A_434 = arith.subi %parallel_loop3A_433, %parallel_loop3A_431 : vector<16xi32>
        %parallel_loop3A_435 = tpu.bitcast %parallel_loop3A_434 : vector<16xi32> -> vector<16xf32>
        %parallel_loop3A_436 = arith.constant 5.000000e-01 : f32
        %parallel_loop3A_437 = vector.broadcast %parallel_loop3A_436 : f32 to vector<16xf32>
        %parallel_loop3A_438 = arith.mulf %parallel_loop3A_427, %parallel_loop3A_437 : vector<16xf32>
        %parallel_loop3A_439 = arith.mulf %parallel_loop3A_438, %parallel_loop3A_435 : vector<16xf32>
        %parallel_loop3A_440 = arith.mulf %parallel_loop3A_439, %parallel_loop3A_435 : vector<16xf32>
        %parallel_loop3A_441 = arith.constant 1.500000e+00 : f32
        %parallel_loop3A_442 = vector.broadcast %parallel_loop3A_441 : f32 to vector<16xf32>
        %parallel_loop3A_443 = arith.subf %parallel_loop3A_442, %parallel_loop3A_440 : vector<16xf32>
        %parallel_loop3A_444 = arith.mulf %parallel_loop3A_435, %parallel_loop3A_443 : vector<16xf32>
        %parallel_loop3A_445 = arith.mulf %parallel_loop3A_438, %parallel_loop3A_444 : vector<16xf32>
        %parallel_loop3A_446 = arith.mulf %parallel_loop3A_445, %parallel_loop3A_444 : vector<16xf32>
        %parallel_loop3A_447 = arith.constant 1.500000e+00 : f32
        %parallel_loop3A_448 = vector.broadcast %parallel_loop3A_447 : f32 to vector<16xf32>
        %parallel_loop3A_449 = arith.subf %parallel_loop3A_448, %parallel_loop3A_446 : vector<16xf32>
        %parallel_loop3A_450 = arith.mulf %parallel_loop3A_444, %parallel_loop3A_449 : vector<16xf32>
        %parallel_loop3A_451 = arith.subf %parallel_loop3A_242, %parallel_loop3A_378 : vector<16xf32>
        %parallel_loop3A_452 = arith.mulf %parallel_loop3A_451, %parallel_loop3A_450 : vector<16xf32>
        %parallel_loop3A_453 = arith.mulf %parallel_loop3A_452, %get3A_4 : vector<16xf32>
        %parallel_loop3A_454 = arith.addf %parallel_loop3A_453, %get3A_28 : vector<16xf32>
        %parallel_loop3A_455 = arith.index_cast %select_n3A_161 : i32 to index
        %parallel_loop3A_456 = arith.index_cast %parallel_loop3A_232 : i32 to index
        %parallel_loop3A_457 = arith.constant 0 : index
        %parallel_loop3A_458 = tpu.vector_load %arg10[%parallel_loop3A_455, %parallel_loop3A_456, %parallel_loop3A_457] {strides = array<i32>} : memref<3x201x128xf32, #tpu.memory_space<vmem>>, vector<1x1x16xf32>,
        %parallel_loop3A_459 = vector.shape_cast %parallel_loop3A_458 : vector<1x1x16xf32> to vector<16xf32>
        %parallel_loop3A_460 = vector.shape_cast %parallel_loop3A_454 : vector<16xf32> to vector<1x1x16xf32>
        tpu.vector_store %arg10[%parallel_loop3A_455, %parallel_loop3A_456, %parallel_loop3A_457], %parallel_loop3A_460 {strides = array<i32>} : memref<3x201x128xf32, #tpu.memory_space<vmem>>, vector<1x1x16xf32>,
        %parallel_loop3A_461 = arith.subf %parallel_loop3A_252, %parallel_loop3A_378 : vector<16xf32>
        %parallel_loop3A_462 = arith.mulf %parallel_loop3A_461, %parallel_loop3A_450 : vector<16xf32>
        %parallel_loop3A_463 = arith.mulf %parallel_loop3A_462, %get3A_7 : vector<16xf32>
        %parallel_loop3A_464 = arith.addf %parallel_loop3A_463, %get3A_31 : vector<16xf32>
        %parallel_loop3A_465 = arith.index_cast %select_n3A_161 : i32 to index
        %parallel_loop3A_466 = arith.index_cast %parallel_loop3A_232 : i32 to index
        %parallel_loop3A_467 = arith.constant 16 : index
        %parallel_loop3A_468 = tpu.vector_load %arg10[%parallel_loop3A_465, %parallel_loop3A_466, %parallel_loop3A_467] {strides = array<i32>} : memref<3x201x128xf32, #tpu.memory_space<vmem>>, vector<1x1x16xf32>,
        %parallel_loop3A_469 = vector.shape_cast %parallel_loop3A_468 : vector<1x1x16xf32> to vector<16xf32>
        %parallel_loop3A_470 = vector.shape_cast %parallel_loop3A_464 : vector<16xf32> to vector<1x1x16xf32>
        tpu.vector_store %arg10[%parallel_loop3A_465, %parallel_loop3A_466, %parallel_loop3A_467], %parallel_loop3A_470 {strides = array<i32>} : memref<3x201x128xf32, #tpu.memory_space<vmem>>, vector<1x1x16xf32>,
        %parallel_loop3A_471 = arith.subf %parallel_loop3A_262, %parallel_loop3A_378 : vector<16xf32>
        %parallel_loop3A_472 = arith.mulf %parallel_loop3A_471, %parallel_loop3A_450 : vector<16xf32>
        %parallel_loop3A_473 = arith.mulf %parallel_loop3A_472, %get3A_10 : vector<16xf32>
        %parallel_loop3A_474 = arith.addf %parallel_loop3A_473, %get3A_34 : vector<16xf32>
        %parallel_loop3A_475 = arith.index_cast %select_n3A_161 : i32 to index
        %parallel_loop3A_476 = arith.index_cast %parallel_loop3A_232 : i32 to index
        %parallel_loop3A_477 = arith.constant 32 : index
        %parallel_loop3A_478 = tpu.vector_load %arg10[%parallel_loop3A_475, %parallel_loop3A_476, %parallel_loop3A_477] {strides = array<i32>} : memref<3x201x128xf32, #tpu.memory_space<vmem>>, vector<1x1x16xf32>,
        %parallel_loop3A_479 = vector.shape_cast %parallel_loop3A_478 : vector<1x1x16xf32> to vector<16xf32>
        %parallel_loop3A_480 = vector.shape_cast %parallel_loop3A_474 : vector<16xf32> to vector<1x1x16xf32>
        tpu.vector_store %arg10[%parallel_loop3A_475, %parallel_loop3A_476, %parallel_loop3A_477], %parallel_loop3A_480 {strides = array<i32>} : memref<3x201x128xf32, #tpu.memory_space<vmem>>, vector<1x1x16xf32>,
        %parallel_loop3A_481 = arith.subf %parallel_loop3A_272, %parallel_loop3A_378 : vector<16xf32>
        %parallel_loop3A_482 = arith.mulf %parallel_loop3A_481, %parallel_loop3A_450 : vector<16xf32>
        %parallel_loop3A_483 = arith.mulf %parallel_loop3A_482, %get3A_13 : vector<16xf32>
        %parallel_loop3A_484 = arith.addf %parallel_loop3A_483, %get3A_37 : vector<16xf32>
        %parallel_loop3A_485 = arith.index_cast %select_n3A_161 : i32 to index
        %parallel_loop3A_486 = arith.index_cast %parallel_loop3A_232 : i32 to index
        %parallel_loop3A_487 = arith.constant 48 : index
        %parallel_loop3A_488 = tpu.vector_load %arg10[%parallel_loop3A_485, %parallel_loop3A_486, %parallel_loop3A_487] {strides = array<i32>} : memref<3x201x128xf32, #tpu.memory_space<vmem>>, vector<1x1x16xf32>,
        %parallel_loop3A_489 = vector.shape_cast %parallel_loop3A_488 : vector<1x1x16xf32> to vector<16xf32>
        %parallel_loop3A_490 = vector.shape_cast %parallel_loop3A_484 : vector<16xf32> to vector<1x1x16xf32>
        tpu.vector_store %arg10[%parallel_loop3A_485, %parallel_loop3A_486, %parallel_loop3A_487], %parallel_loop3A_490 {strides = array<i32>} : memref<3x201x128xf32, #tpu.memory_space<vmem>>, vector<1x1x16xf32>,
        %parallel_loop3A_491 = arith.subf %parallel_loop3A_282, %parallel_loop3A_378 : vector<16xf32>
        %parallel_loop3A_492 = arith.mulf %parallel_loop3A_491, %parallel_loop3A_450 : vector<16xf32>
        %parallel_loop3A_493 = arith.mulf %parallel_loop3A_492, %get3A_16 : vector<16xf32>
        %parallel_loop3A_494 = arith.addf %parallel_loop3A_493, %get3A_40 : vector<16xf32>
        %parallel_loop3A_495 = arith.index_cast %select_n3A_161 : i32 to index
        %parallel_loop3A_496 = arith.index_cast %parallel_loop3A_232 : i32 to index
        %parallel_loop3A_497 = arith.constant 64 : index
        %parallel_loop3A_498 = tpu.vector_load %arg10[%parallel_loop3A_495, %parallel_loop3A_496, %parallel_loop3A_497] {strides = array<i32>} : memref<3x201x128xf32, #tpu.memory_space<vmem>>, vector<1x1x16xf32>,
        %parallel_loop3A_499 = vector.shape_cast %parallel_loop3A_498 : vector<1x1x16xf32> to vector<16xf32>
        %parallel_loop3A_500 = vector.shape_cast %parallel_loop3A_494 : vector<16xf32> to vector<1x1x16xf32>
        tpu.vector_store %arg10[%parallel_loop3A_495, %parallel_loop3A_496, %parallel_loop3A_497], %parallel_loop3A_500 {strides = array<i32>} : memref<3x201x128xf32, #tpu.memory_space<vmem>>, vector<1x1x16xf32>,
        %parallel_loop3A_501 = arith.subf %parallel_loop3A_292, %parallel_loop3A_378 : vector<16xf32>
        %parallel_loop3A_502 = arith.mulf %parallel_loop3A_501, %parallel_loop3A_450 : vector<16xf32>
        %parallel_loop3A_503 = arith.mulf %parallel_loop3A_502, %get3A_19 : vector<16xf32>
        %parallel_loop3A_504 = arith.addf %parallel_loop3A_503, %get3A_43 : vector<16xf32>
        %parallel_loop3A_505 = arith.index_cast %select_n3A_161 : i32 to index
        %parallel_loop3A_506 = arith.index_cast %parallel_loop3A_232 : i32 to index
        %parallel_loop3A_507 = arith.constant 80 : index
        %parallel_loop3A_508 = tpu.vector_load %arg10[%parallel_loop3A_505, %parallel_loop3A_506, %parallel_loop3A_507] {strides = array<i32>} : memref<3x201x128xf32, #tpu.memory_space<vmem>>, vector<1x1x16xf32>,
        %parallel_loop3A_509 = vector.shape_cast %parallel_loop3A_508 : vector<1x1x16xf32> to vector<16xf32>
        %parallel_loop3A_510 = vector.shape_cast %parallel_loop3A_504 : vector<16xf32> to vector<1x1x16xf32>
        tpu.vector_store %arg10[%parallel_loop3A_505, %parallel_loop3A_506, %parallel_loop3A_507], %parallel_loop3A_510 {strides = array<i32>} : memref<3x201x128xf32, #tpu.memory_space<vmem>>, vector<1x1x16xf32>,
        %parallel_loop3A_511 = arith.subf %parallel_loop3A_302, %parallel_loop3A_378 : vector<16xf32>
        %parallel_loop3A_512 = arith.mulf %parallel_loop3A_511, %parallel_loop3A_450 : vector<16xf32>
        %parallel_loop3A_513 = arith.mulf %parallel_loop3A_512, %get3A_22 : vector<16xf32>
        %parallel_loop3A_514 = arith.addf %parallel_loop3A_513, %get3A_46 : vector<16xf32>
        %parallel_loop3A_515 = arith.index_cast %select_n3A_161 : i32 to index
        %parallel_loop3A_516 = arith.index_cast %parallel_loop3A_232 : i32 to index
        %parallel_loop3A_517 = arith.constant 96 : index
        %parallel_loop3A_518 = tpu.vector_load %arg10[%parallel_loop3A_515, %parallel_loop3A_516, %parallel_loop3A_517] {strides = array<i32>} : memref<3x201x128xf32, #tpu.memory_space<vmem>>, vector<1x1x16xf32>,
        %parallel_loop3A_519 = vector.shape_cast %parallel_loop3A_518 : vector<1x1x16xf32> to vector<16xf32>
        %parallel_loop3A_520 = vector.shape_cast %parallel_loop3A_514 : vector<16xf32> to vector<1x1x16xf32>
        tpu.vector_store %arg10[%parallel_loop3A_515, %parallel_loop3A_516, %parallel_loop3A_517], %parallel_loop3A_520 {strides = array<i32>} : memref<3x201x128xf32, #tpu.memory_space<vmem>>, vector<1x1x16xf32>,
        %parallel_loop3A_521 = arith.subf %parallel_loop3A_312, %parallel_loop3A_378 : vector<16xf32>
        %parallel_loop3A_522 = arith.mulf %parallel_loop3A_521, %parallel_loop3A_450 : vector<16xf32>
        %parallel_loop3A_523 = arith.mulf %parallel_loop3A_522, %get3A_25 : vector<16xf32>
        %parallel_loop3A_524 = arith.addf %parallel_loop3A_523, %get3A_49 : vector<16xf32>
        %parallel_loop3A_525 = arith.index_cast %select_n3A_161 : i32 to index
        %parallel_loop3A_526 = arith.index_cast %parallel_loop3A_232 : i32 to index
        %parallel_loop3A_527 = arith.constant 112 : index
        %parallel_loop3A_528 = tpu.vector_load %arg10[%parallel_loop3A_525, %parallel_loop3A_526, %parallel_loop3A_527] {strides = array<i32>} : memref<3x201x128xf32, #tpu.memory_space<vmem>>, vector<1x1x16xf32>,
        %parallel_loop3A_529 = vector.shape_cast %parallel_loop3A_528 : vector<1x1x16xf32> to vector<16xf32>
        %parallel_loop3A_530 = vector.shape_cast %parallel_loop3A_524 : vector<16xf32> to vector<1x1x16xf32>
        tpu.vector_store %arg10[%parallel_loop3A_525, %parallel_loop3A_526, %parallel_loop3A_527], %parallel_loop3A_530 {strides = array<i32>} : memref<3x201x128xf32, #tpu.memory_space<vmem>>, vector<1x1x16xf32>,
      } {sc.loop_unroll_factor = 3 : i64, sc.parallel_access}
      %add3A_213 = arith.addi %mul3A_2, %scan3A_152 : i32
      %dma_start3A_214 = arith.constant 0 : i32
      %dma_start3A_215 = arith.constant 0 : i32
      %dma_start3A_216 = tpu.memref_slice %arg10[%select_n3A_161, %dma_start3A_214, %dma_start3A_215] : memref<3x201x128xf32, #tpu.memory_space<vmem>> -> memref<1x201x128xf32, #tpu.memory_space<vmem>>
      %dma_start3A_217 = tpu.memref_squeeze %dma_start3A_216 : memref<1x201x128xf32, #tpu.memory_space<vmem>> -> memref<201x128xf32, #tpu.memory_space<vmem>>
      %dma_start3A_218 = arith.constant 0 : i32
      %dma_start3A_219 = arith.constant 0 : i32
      %dma_start3A_220 = tpu.memref_slice %arg8[%add3A_213, %dma_start3A_218, %dma_start3A_219] : memref<1024x201x128xf32, #tpu.memory_space<hbm>> -> memref<1x201x128xf32, #tpu.memory_space<hbm>>
      %dma_start3A_221 = tpu.memref_squeeze %dma_start3A_220 : memref<1x201x128xf32, #tpu.memory_space<hbm>> -> memref<201x128xf32, #tpu.memory_space<hbm>>
      %dma_start3A_222 = tpu.memref_slice %arg15[%select_n3A_161] : memref<3x!tpu.dma_semaphore, #tpu.memory_space<semaphore_mem>> -> memref<1x!tpu.dma_semaphore, #tpu.memory_space<semaphore_mem>>
      %dma_start3A_223 = tpu.memref_squeeze %dma_start3A_222 : memref<1x!tpu.dma_semaphore, #tpu.memory_space<semaphore_mem>> -> memref<!tpu.dma_semaphore, #tpu.memory_space<semaphore_mem>>
      %dma_start3A_224 = arith.constant 0 : i32
      %dma_start3A_225 = arith.constant 0 : i32
      %dma_start3A_226 = tpu.memref_slice %arg8[%add3A_213, %dma_start3A_224, %dma_start3A_225] : memref<1024x201x128xf32, #tpu.memory_space<hbm>> -> memref<1x201x128xf32, #tpu.memory_space<hbm>>
      %dma_start3A_227 = tpu.memref_squeeze %dma_start3A_226 : memref<1x201x128xf32, #tpu.memory_space<hbm>> -> memref<201x128xf32, #tpu.memory_space<hbm>>
      %dma_start3A_228 = arith.constant 0 : i32
      %dma_start3A_229 = arith.constant 0 : i32
      %dma_start3A_230 = tpu.memref_slice %arg10[%select_n3A_161, %dma_start3A_228, %dma_start3A_229] : memref<3x201x128xf32, #tpu.memory_space<vmem>> -> memref<1x201x128xf32, #tpu.memory_space<vmem>>
      %dma_start3A_231 = tpu.memref_squeeze %dma_start3A_230 : memref<1x201x128xf32, #tpu.memory_space<vmem>> -> memref<201x128xf32, #tpu.memory_space<vmem>>
      tpu.enqueue_dma source(%dma_start3A_231 : memref<201x128xf32, #tpu.memory_space<vmem>>) target(%dma_start3A_227 : memref<201x128xf32, #tpu.memory_space<hbm>>) target_semaphore(%dma_start3A_223 : memref<!tpu.dma_semaphore, #tpu.memory_space<semaphore_mem>>)
    }
    %scan3A_86 = arith.constant 32 : i32
    %add3A_87 = arith.constant 29 : i32
    %add3A_88 = arith.addi %mul3A_2, %add3A_87 : i32
    %dma_wait3A = arith.constant 2 : i32
    %dma_wait3A_89 = arith.constant 2 : i32
    %dma_wait3A_90 = arith.constant 0 : i32
    %dma_wait3A_91 = arith.constant 0 : i32
    %dma_wait3A_92 = tpu.memref_slice %arg10[%dma_wait3A, %dma_wait3A_90, %dma_wait3A_91] : memref<3x201x128xf32, #tpu.memory_space<vmem>> -> memref<1x201x128xf32, #tpu.memory_space<vmem>>
    %dma_wait3A_93 = tpu.memref_squeeze %dma_wait3A_92 : memref<1x201x128xf32, #tpu.memory_space<vmem>> -> memref<201x128xf32, #tpu.memory_space<vmem>>
    %dma_wait3A_94 = arith.constant 0 : i32
    %dma_wait3A_95 = arith.constant 0 : i32
    %dma_wait3A_96 = tpu.memref_slice %arg8[%add3A_88, %dma_wait3A_94, %dma_wait3A_95] : memref<1024x201x128xf32, #tpu.memory_space<hbm>> -> memref<1x201x128xf32, #tpu.memory_space<hbm>>
    %dma_wait3A_97 = tpu.memref_squeeze %dma_wait3A_96 : memref<1x201x128xf32, #tpu.memory_space<hbm>> -> memref<201x128xf32, #tpu.memory_space<hbm>>
    %dma_wait3A_98 = tpu.memref_slice %arg15[%dma_wait3A_89] : memref<3x!tpu.dma_semaphore, #tpu.memory_space<semaphore_mem>> -> memref<1x!tpu.dma_semaphore, #tpu.memory_space<semaphore_mem>>
    %dma_wait3A_99 = tpu.memref_squeeze %dma_wait3A_98 : memref<1x!tpu.dma_semaphore, #tpu.memory_space<semaphore_mem>> -> memref<!tpu.dma_semaphore, #tpu.memory_space<semaphore_mem>>
    %dma_wait3A_100 = arith.constant 0 : i32
    %dma_wait3A_101 = arith.constant 0 : i32
    %dma_wait3A_102 = tpu.memref_slice %arg8[%add3A_88, %dma_wait3A_100, %dma_wait3A_101] : memref<1024x201x128xf32, #tpu.memory_space<hbm>> -> memref<1x201x128xf32, #tpu.memory_space<hbm>>
    %dma_wait3A_103 = tpu.memref_squeeze %dma_wait3A_102 : memref<1x201x128xf32, #tpu.memory_space<hbm>> -> memref<201x128xf32, #tpu.memory_space<hbm>>
    %dma_wait3A_104 = arith.constant 0 : i32
    %dma_wait3A_105 = arith.constant 0 : i32
    %dma_wait3A_106 = tpu.memref_slice %arg10[%dma_wait3A, %dma_wait3A_104, %dma_wait3A_105] : memref<3x201x128xf32, #tpu.memory_space<vmem>> -> memref<1x201x128xf32, #tpu.memory_space<vmem>>
    %dma_wait3A_107 = tpu.memref_squeeze %dma_wait3A_106 : memref<1x201x128xf32, #tpu.memory_space<vmem>> -> memref<201x128xf32, #tpu.memory_space<vmem>>
    tpu.wait_dma2 semaphore(%dma_wait3A_99 : memref<!tpu.dma_semaphore, #tpu.memory_space<semaphore_mem>>) src(%dma_wait3A_107 : memref<201x128xf32, #tpu.memory_space<vmem>>) dst(%dma_wait3A_103 : memref<201x128xf32, #tpu.memory_space<hbm>>)
    %add3A_108 = arith.constant 30 : i32
    %add3A_109 = arith.addi %mul3A_2, %add3A_108 : i32
    %dma_wait3A_110 = arith.constant 0 : i32
    %dma_wait3A_111 = arith.constant 0 : i32
    %dma_wait3A_112 = arith.constant 0 : i32
    %dma_wait3A_113 = arith.constant 0 : i32
    %dma_wait3A_114 = tpu.memref_slice %arg10[%dma_wait3A_110, %dma_wait3A_112, %dma_wait3A_113] : memref<3x201x128xf32, #tpu.memory_space<vmem>> -> memref<1x201x128xf32, #tpu.memory_space<vmem>>
    %dma_wait3A_115 = tpu.memref_squeeze %dma_wait3A_114 : memref<1x201x128xf32, #tpu.memory_space<vmem>> -> memref<201x128xf32, #tpu.memory_space<vmem>>
    %dma_wait3A_116 = arith.constant 0 : i32
    %dma_wait3A_117 = arith.constant 0 : i32
    %dma_wait3A_118 = tpu.memref_slice %arg8[%add3A_109, %dma_wait3A_116, %dma_wait3A_117] : memref<1024x201x128xf32, #tpu.memory_space<hbm>> -> memref<1x201x128xf32, #tpu.memory_space<hbm>>
    %dma_wait3A_119 = tpu.memref_squeeze %dma_wait3A_118 : memref<1x201x128xf32, #tpu.memory_space<hbm>> -> memref<201x128xf32, #tpu.memory_space<hbm>>
    %dma_wait3A_120 = tpu.memref_slice %arg15[%dma_wait3A_111] : memref<3x!tpu.dma_semaphore, #tpu.memory_space<semaphore_mem>> -> memref<1x!tpu.dma_semaphore, #tpu.memory_space<semaphore_mem>>
    %dma_wait3A_121 = tpu.memref_squeeze %dma_wait3A_120 : memref<1x!tpu.dma_semaphore, #tpu.memory_space<semaphore_mem>> -> memref<!tpu.dma_semaphore, #tpu.memory_space<semaphore_mem>>
    %dma_wait3A_122 = arith.constant 0 : i32
    %dma_wait3A_123 = arith.constant 0 : i32
    %dma_wait3A_124 = tpu.memref_slice %arg8[%add3A_109, %dma_wait3A_122, %dma_wait3A_123] : memref<1024x201x128xf32, #tpu.memory_space<hbm>> -> memref<1x201x128xf32, #tpu.memory_space<hbm>>
    %dma_wait3A_125 = tpu.memref_squeeze %dma_wait3A_124 : memref<1x201x128xf32, #tpu.memory_space<hbm>> -> memref<201x128xf32, #tpu.memory_space<hbm>>
    %dma_wait3A_126 = arith.constant 0 : i32
    %dma_wait3A_127 = arith.constant 0 : i32
    %dma_wait3A_128 = tpu.memref_slice %arg10[%dma_wait3A_110, %dma_wait3A_126, %dma_wait3A_127] : memref<3x201x128xf32, #tpu.memory_space<vmem>> -> memref<1x201x128xf32, #tpu.memory_space<vmem>>
    %dma_wait3A_129 = tpu.memref_squeeze %dma_wait3A_128 : memref<1x201x128xf32, #tpu.memory_space<vmem>> -> memref<201x128xf32, #tpu.memory_space<vmem>>
    tpu.wait_dma2 semaphore(%dma_wait3A_121 : memref<!tpu.dma_semaphore, #tpu.memory_space<semaphore_mem>>) src(%dma_wait3A_129 : memref<201x128xf32, #tpu.memory_space<vmem>>) dst(%dma_wait3A_125 : memref<201x128xf32, #tpu.memory_space<hbm>>)
    %add3A_130 = arith.constant 31 : i32
    %add3A_131 = arith.addi %mul3A_2, %add3A_130 : i32
    %dma_wait3A_132 = arith.constant 1 : i32
    %dma_wait3A_133 = arith.constant 1 : i32
    %dma_wait3A_134 = arith.constant 0 : i32
    %dma_wait3A_135 = arith.constant 0 : i32
    %dma_wait3A_136 = tpu.memref_slice %arg10[%dma_wait3A_132, %dma_wait3A_134, %dma_wait3A_135] : memref<3x201x128xf32, #tpu.memory_space<vmem>> -> memref<1x201x128xf32, #tpu.memory_space<vmem>>
    %dma_wait3A_137 = tpu.memref_squeeze %dma_wait3A_136 : memref<1x201x128xf32, #tpu.memory_space<vmem>> -> memref<201x128xf32, #tpu.memory_space<vmem>>
    %dma_wait3A_138 = arith.constant 0 : i32
    %dma_wait3A_139 = arith.constant 0 : i32
    %dma_wait3A_140 = tpu.memref_slice %arg8[%add3A_131, %dma_wait3A_138, %dma_wait3A_139] : memref<1024x201x128xf32, #tpu.memory_space<hbm>> -> memref<1x201x128xf32, #tpu.memory_space<hbm>>
    %dma_wait3A_141 = tpu.memref_squeeze %dma_wait3A_140 : memref<1x201x128xf32, #tpu.memory_space<hbm>> -> memref<201x128xf32, #tpu.memory_space<hbm>>
    %dma_wait3A_142 = tpu.memref_slice %arg15[%dma_wait3A_133] : memref<3x!tpu.dma_semaphore, #tpu.memory_space<semaphore_mem>> -> memref<1x!tpu.dma_semaphore, #tpu.memory_space<semaphore_mem>>
    %dma_wait3A_143 = tpu.memref_squeeze %dma_wait3A_142 : memref<1x!tpu.dma_semaphore, #tpu.memory_space<semaphore_mem>> -> memref<!tpu.dma_semaphore, #tpu.memory_space<semaphore_mem>>
    %dma_wait3A_144 = arith.constant 0 : i32
    %dma_wait3A_145 = arith.constant 0 : i32
    %dma_wait3A_146 = tpu.memref_slice %arg8[%add3A_131, %dma_wait3A_144, %dma_wait3A_145] : memref<1024x201x128xf32, #tpu.memory_space<hbm>> -> memref<1x201x128xf32, #tpu.memory_space<hbm>>
    %dma_wait3A_147 = tpu.memref_squeeze %dma_wait3A_146 : memref<1x201x128xf32, #tpu.memory_space<hbm>> -> memref<201x128xf32, #tpu.memory_space<hbm>>
    %dma_wait3A_148 = arith.constant 0 : i32
    %dma_wait3A_149 = arith.constant 0 : i32
    %dma_wait3A_150 = tpu.memref_slice %arg10[%dma_wait3A_132, %dma_wait3A_148, %dma_wait3A_149] : memref<3x201x128xf32, #tpu.memory_space<vmem>> -> memref<1x201x128xf32, #tpu.memory_space<vmem>>
    %dma_wait3A_151 = tpu.memref_squeeze %dma_wait3A_150 : memref<1x201x128xf32, #tpu.memory_space<vmem>> -> memref<201x128xf32, #tpu.memory_space<vmem>>
    tpu.wait_dma2 semaphore(%dma_wait3A_143 : memref<!tpu.dma_semaphore, #tpu.memory_space<semaphore_mem>>) src(%dma_wait3A_151 : memref<201x128xf32, #tpu.memory_space<vmem>>) dst(%dma_wait3A_147 : memref<201x128xf32, #tpu.memory_space<hbm>>)
    return
  }
}

</mosaic_0001>

<sc_bundles>
// kernel: kernel.3.cloned.1.call-start
scs
__scs_entry_jumppad:
0x0: {  	(pc) =	sbr.rel $0x88, $3  }
0x1: {  	(tag) =	ssettag $0x0;
	lr =	simm.s32 $0x1  }
0x2: {  	[smem:$0x3F9B] =	sst lr;
	_ =	strace $0xD0000000  }
0x3: {  	_ = 	snop  }
0x4: {  	_ = 	snop  }
0x5: {  	_ = 	snop  }
0x6: {  	_ = 	snop  }
0x7: {  	_ = 	snop  }
__scs_overlays_trampoline_lowered:
0x8: {  	[smem:$0x3FAA] =	sst s0  }
0x9: {  	[smem:$0x3FAB] =	sst s1  }
0xa: {  	[smem:$0x3FAC] =	sst s2  }
0xb: {  	[smem:$0x3FAD] =	sst s3  }
0xc: {  	[smem:$0x3FAE] =	sst s4  }
0xd: {  	[smem:$0x3FAF] =	sst s5  }
0xe: {  	[smem:$0x3FB0] =	sst s6  }
0xf: {  	[smem:$0x3FB1] =	sst s7  }
0x10: {  	[smem:$0x3FB2] =	sst s8  }
0x11: {  	[smem:$0x3FB3] =	sst s9;
	s0 =	simm.s32 @!p0 $0x0  }
0x12: {  	s1 =	sld [smem:$0x3F99];
	s0 =	simm.s32 @p0 $0x1  }
0x13: {  	[smem:$0x3FB4] =	sst s0;
	s0 =	simm.s32 @!p1 $0x0  }
0x14: {  	s2 =	sld [smem:$0x3F98];
	s0 =	simm.s32 @p1 $0x1  }
0x15: {  	[smem:$0x3FB5] =	sst s0;
	s0 =	simm.s32 @!p2 $0x0  }
0x16: {  	s3 =	sld [smem:$0x3FDB];
	s0 =	simm.s32 @p2 $0x1  }
0x17: {  	s4 =	simm.s32 $0x1BF5;
	[smem:$0x3FB7] =	sst s0  }
0x18: {  	s0 =	sld [smem:$0x3F9A];
	_ =	swait.ge [sflag:s4], $0x0  }
0x19: {  	s7 =	sld [smem:$0x3F9B]  }
0x1a: {  	s8 =	sadd.s32 $0xFFFFE003, lr  }
0x1b: {  	s9 =	sadd.s32 $0xFFFFFEF7, lr;
	s5 =	simm.s32 $0xFFFFFFFF;
	p2 =	slt.u32 s8, $0xFFFFF086  }
0x1c: {  	p1 =	slt.u32 s9, $0xF7A;
	s5 =	simm.s32 @!p2 $0x0  }
0x1d: {  	s5 =	simm.s32 @p1 $0x1;
	p0 =	seq.s32 s7, s2  }
0x1e: {  	s7 =	smul.u32 @!p0 $0xF7A, s2;
	p2 =	seq.s32 @!p0 s5, $0x0  }
0x1f: {  	s9 =	smul.u32 $0xF7A, s1;
	s8 =	simm.s32 @!p0 $0x1BF5;
	p2 =	por !p2, p0  }
0x20: {  	[sflag:s8] =	ssyncset.s32 @!p0 $0xFFFFF086;
	s6 =	sadd.s32 @!p0 s3, s7;
	s7 =	simm.s32 @!p0 $0x108  }
0x21: {  	s3 =	sadd.s32 s3, s9;
	s6 =	sadd.s32 @!p0 $0x88, s6;
	s7 =	simm.s32 @p2 $0x1082  }
0x22: {  	[simem:s7], [sflag:s8] =	dma.local @!p0 [hbm:s6], $0xF7A  }
0x23: {  	s9 =	sor.u32 $0xD0000000, s2;
	s6 =	simm.s32 $0x108;
	_ =	swait.ge @!p0 [sflag:s8], $0x0  }
0x24: {  	s3 =	sadd.s32 $0x88, s3;
	s6 =	simm.s32 @!p1 $0x1082;
	[sflag:s4] =	ssyncset.s32 $0xFFFFF086  }
0x25: {  	[simem:s6], [sflag:s4] =	dma.local [hbm:s3], $0xF7A  }
0x26: {  	[smem:$0x3F9B] =	sst s1;
	(tag) =	ssettag s2;
	_ =	strace s9  }
0x27: {  	s1 =	sld [smem:$0x3FAB]  }
0x28: {  	s2 =	sld [smem:$0x3FAC]  }
0x29: {  	s4 =	sld [smem:$0x3FAE]  }
0x2a: {  	p0 =	seq.s32 s5, $0x0;
	s5 =	sld [smem:$0x3FAF]  }
0x2b: {  	s6 =	sld [smem:$0x3FB0]  }
0x2c: {  	s7 =	sld [smem:$0x3FB1]  }
0x2d: {  	s3 =	simm.s32 $0x108;
	s8 =	sld [smem:$0x3FB2]  }
0x2e: {  	s3 =	simm.s32 @!p0 $0x1082;
	s9 =	sld [smem:$0x3FB3]  }
0x2f: {  	lr =	sadd.s32 s0, s3;
	s0 =	sld [smem:$0x3FAA]  }
0x30: {  	s3 =	sld [smem:$0x3FAD]  }
0x31: {  	[smem:$0x3FB6] =	sst s10  }
0x32: {  	s10 =	sld [smem:$0x3FB4];
	_ =	sdelay $0x3  }
0x33: {  	p0 =	seq.s32 s10, $0x1;
	s10 =	sld [smem:$0x3FB6];
	_ =	sdelay $0x3  }
0x34: {  	[smem:$0x3FB6] =	sst s10  }
0x35: {  	s10 =	sld [smem:$0x3FB5];
	_ =	sdelay $0x3  }
0x36: {  	p1 =	seq.s32 s10, $0x1;
	s10 =	sld [smem:$0x3FB6];
	_ =	sdelay $0x3  }
0x37: {  	[smem:$0x3FB6] =	sst s10  }
0x38: {  	s10 =	sld [smem:$0x3FB7]  }
0x39: {  	_ = 	snop;
	(pc) =	sbr.ind lr, $3  }
0x3a: {  	_ = 	snop  }
0x3b: {  	_ = 	snop  }
0x3c: {  	p2 =	seq.s32 s10, $0x1;
	s10 =	sld [smem:$0x3FB6]  }
0x3d: {  	_ =	shalt  }
0x3e: {  	_ =	shalt  }
0x3f: {  	_ =	shalt  }
0x40: {  	_ =	shalt  }
0x41: {  	_ =	shalt  }
0x42: {  	_ =	shalt  }
0x43: {  	_ =	shalt  }
0x44: {  	_ =	shalt  }
0x45: {  	_ =	shalt  }
0x46: {  	_ =	shalt  }
0x47: {  	_ =	shalt  }
0x48: {  	_ =	shalt  }
0x49: {  	_ =	shalt  }
0x4a: {  	_ =	shalt  }
0x4b: {  	_ =	shalt  }
0x4c: {  	_ =	shalt  }
0x4d: {  	_ =	shalt  }
0x4e: {  	_ =	shalt  }
0x4f: {  	_ =	shalt  }
0x50: {  	_ =	shalt  }
0x51: {  	_ =	shalt  }
0x52: {  	_ =	shalt  }
0x53: {  	_ =	shalt  }
0x54: {  	_ =	shalt  }
0x55: {  	_ =	shalt  }
0x56: {  	_ =	shalt  }
0x57: {  	_ =	shalt  }
0x58: {  	_ =	shalt  }
0x59: {  	_ =	shalt  }
0x5a: {  	_ =	shalt  }
0x5b: {  	_ =	shalt  }
0x5c: {  	_ =	shalt  }
0x5d: {  	_ =	shalt  }
0x5e: {  	_ =	shalt  }
0x5f: {  	_ =	shalt  }
0x60: {  	_ =	shalt  }
0x61: {  	_ =	shalt  }
0x62: {  	_ =	shalt  }
0x63: {  	_ =	shalt  }
0x64: {  	_ =	shalt  }
0x65: {  	_ =	shalt  }
0x66: {  	_ =	shalt  }
0x67: {  	_ =	shalt  }
0x68: {  	_ =	shalt  }
0x69: {  	_ =	shalt  }
0x6a: {  	_ =	shalt  }
0x6b: {  	_ =	shalt  }
0x6c: {  	_ =	shalt  }
0x6d: {  	_ =	shalt  }
0x6e: {  	_ =	shalt  }
0x6f: {  	_ =	shalt  }
0x70: {  	_ =	shalt  }
0x71: {  	_ =	shalt  }
0x72: {  	_ =	shalt  }
0x73: {  	_ =	shalt  }
0x74: {  	_ =	shalt  }
0x75: {  	_ =	shalt  }
0x76: {  	_ =	shalt  }
0x77: {  	_ =	shalt  }
0x78: {  	_ =	shalt  }
0x79: {  	_ =	shalt  }
0x7a: {  	_ =	shalt  }
0x7b: {  	_ =	shalt  }
0x7c: {  	_ =	shalt  }
0x7d: {  	_ =	shalt  }
0x7e: {  	_ =	shalt  }
0x7f: {  	_ =	shalt  }
0x80: {  	_ =	shalt  }
0x81: {  	_ =	shalt  }
0x82: {  	_ =	shalt  }
0x83: {  	_ =	shalt  }
0x84: {  	_ =	shalt  }
0x85: {  	_ =	shalt  }
0x86: {  	_ =	shalt  }
0x87: {  	_ =	shalt  }
.Lfunc_end0:
.L_simem_size_0:
called_computation_lowered:
.L_overlay_start_0:
0x88: {  	s2 =	sld [smem:$0x3FD9]  }
0x89: {  	s3 =	sld [smem:$0x3FFE];
	_ =	sdelay $0x1  }
0x8a: {  	s1 =	srdreg.scid  }
0x8b: {  	s0 =	sand.u32 $0x1, s1  }
0x8c: {  	s17 =	sshll.u32 s0, $0xA;
	s2 =	sadd.s32 s3, s2  }
0x8d: {  	s2 =	sadd.s32 s2, s17  }
0x8e: {  	[smem:$0x3FC2] =	sst s2  }
0x8f: {  	_ = 	snop  }
0x90: {  	s2 =	sld [smem:$0x3FC8]  }
0x91: {  	s18 =	sld [smem:$0x3FC7]  }
0x92: {  	s4 =	sld [smem:$0x3FC5]  }
0x93: {  	s5 =	sld [smem:$0x3FC4]  }
0x94: {  	s6 =	sld [smem:$0x3FD0];
	(tm) =	ssettm $0x1  }
0x95: {  	s7 =	sld [smem:$0x3FFB];
	_ =	sdelay $0x3  }
0x96: {  	_ =	strace s7  }
0x97: {  	s7 =	sld [smem:$0x3FFC];
	_ =	sdelay $0x3  }
0x98: {  	_ =	strace s7  }
0x99: {  	s7 =	sld [smem:$0x3FFD];
	_ =	sdelay $0x3  }
0x9a: {  	_ =	strace s7  }
0x9b: {  	_ =	strace $0x8FFFFFFF  }
0x9c: {  	s19 =	sld [smem:$0x3FDB];
	_ =	sdelay $0x1  }
0x9d: {  	s8 =	simm.s32 $_scs_section_size  }
0x9e: {  	s9 =	simm.s32 $_size__tile_overlayer_lowered;
	s10 =	simm.s32 $_tile_overlayer_lowered  }
0x9f: {  	s22 =	simm.s32 $0x1BFF;
	s21 =	sshll.u32 s10, $0x1;
	s7 =	sadd.s32 s8, s19  }
0xa0: {  	s11 =	simm.s32 $0x0;
	s20 =	sshll.u32 s9, $0x1;
	s9 =	sadd.s32 s21, s7  }
0xa1: {  	[timem:s11], [sflag:s22] =	dma.local [hbm:s9], s20  }
0xa2: {  	_ =	swait.ge [sflag:s22], s20  }
0xa3: {  	s8 =	ssub.s32 $0x0, s20;
	[sflag:s22] =	ssyncset.done $0x0  }
0xa4: {  	[sflag:s22] =	ssyncadd.s32 s8;
	_ =	sdelay $0x1  }
0xa5: {  	s23 =	simm.s32 $0x1B8B  }
0xa6: {  	_ =	swait.ge [sflag:s23], $0x1  }
0xa7: {  	[sflag:s23] =	ssyncset.done $0x0  }
0xa8: {  	s25 =	simm.s32 $0x1B8E;
	s24 =	sld [smem:$0x3FFE];
	[sflag:s23] =	ssyncadd.s32 $0xFFFFFFFF  }
0xa9: {  	s26 =	simm.s32 $execute0_lowered;
	[smem:$0x3FD2] =	sst s25  }
0xaa: {  	s9 =	sshll.u32 s26, $0x1;
	_ =	strace $0x80000046;
	[dreg:$0x1] =	wrdreg $0xFFFFFFFF  }
0xab: {  	s28 =	simm.s32 $_size_execute0_lowered;
	s7 =	sadd.s32 s7, s9;
	[dreg:$0x0] =	wrdreg $0x0  }
0xac: {  	s9 =	sshll.u32 s28, $0x1;
	[dreg:$0x2] =	wrdreg s7  }
0xad: {  	[dreg:$0x3] =	wrdreg s9  }
0xae: {  	[dreg:$0x4] =	wrdreg $0xC0  }
0xaf: {  	_ =	task [dreg:s11], $0x5FFFF  }
0xb0: {  	[dreg:$0x1] =	wrdreg $0xFFFFFFFF  }
0xb1: {  	[dreg:$0x0] =	wrdreg $0x60  }
0xb2: {  	[dreg:$0x2] =	wrdreg s6  }
0xb3: {  	[dreg:$0x3] =	wrdreg s2  }
0xb4: {  	[dreg:$0x4] =	wrdreg s18  }
0xb5: {  	[dreg:$0x5] =	wrdreg s24  }
0xb6: {  	[dreg:$0x6] =	wrdreg s4  }
0xb7: {  	[dreg:$0x7] =	wrdreg s5  }
0xb8: {  	[dreg:$0x8] =	wrdreg $0x9  }
0xb9: {  	_ =	task.clear_ibuf [dreg:s11], $0x9FFFF;
	_ =	strace $0x90000046  }
0xba: {  	s29 =	simm.s32 $0x9;
	_ =	strace $0x80000048  }
0xbb: {  	_ =	swait.ge [sflag:s29], $0x1  }
0xbc: {  	[sflag:s29] =	ssyncadd.s32 $0xFFFFFFFF  }
0xbd: {  	_ =	strace $0x90000048  }
0xbe: {  	_ =	sfence  }
0xbf: {  	s30 =	sld [smem:$0x0];
	_ =	sdelay $0x2  }
0xc0: {  	s31 =	sshll.u32 s1, $0xD;
	s1 =	sshrl.u32 s1, $0x2  }
0xc1: {  	s3 =	sand.u32 $0x4000, s31;
	s1 =	sadd.s32 s1, s30  }
0xc2: {  	s0 =	sor.u32 s3, s0;
	s1 =	sshll.u32 s1, $0x11  }
0xc3: {  	s0 =	sor.u32 s1, s0  }
0xc4: {  	s0 =	sadd.s32 $0x8F2B, s0  }
0xc5: {  	[sflag:s0] =	ssyncadd.remote.s32 $0x1  }
0xc6: {  	_ =	sfence.sel $0xFFFF  }
0xc7: {  	[dreg:$0x0] =	wrdreg $0xFFFFFFFF;
	(pc) =	sbr.abs _section_cstart, $3  }
0xc8: {  	[dreg:$0x1] =	wrdreg $0xFFFFFFFF  }
0xc9: {  	_ =	task.clear_ibuf [dreg:s11], $0x2FFFF;
	_ =	strace $0x9FFFFFFF  }
0xca: {  	(tm) =	ssettm $0x7FFFFFFF  }
0xcb: {  	_ =	shalt  }
tec
execute0_lowered:
.L_overlay_start_1:
0x0: {  	(tag) =	ssettag $0x1  }
0x1: {  	v0 =	vimm.s32 $0xFEDCBA98  }
0x2: {  	v1 =	vimm.s32 $0x76543210;
	v2 =	vimm.s32 $0x3210FEDC;
	v3 =	vimm.s32 $0xBA987654  }
0x3: {  	s0 =	rddreg [dreg:$0x0];
	v4 =	vimm.s32 $0x10FEDCBA;
	v5 =	vimm.s32 $0x98765432;
	v6 =	vimm.s32 $0xFEDCBA9  }
0x4: {  	s2 =	rddreg [dreg:$0x1];
	v7 =	vimm.s32 $0x87654321;
	v0 =	vunpack.c.l.s4.s8 v0;
	v1 =	vunpack.c.l.s4.s8 v1  }
0x5: {  	s3 =	rddreg [dreg:$0x2];
	v2 =	vunpack.c.l.s4.s8 v2;
	v3 =	vunpack.c.l.s4.s8 v3;
	v4 =	vunpack.c.l.s4.s8 v4  }
0x6: {  	s1 =	rddreg [dreg:$0x3];
	s6 =	simm.s32 $0x0;
	s4 =	srdreg.scid;
	v5 =	vunpack.c.l.s4.s8 v5;
	v6 =	vunpack.c.l.s4.s8 v6;
	v7 =	vunpack.c.l.s4.s8 v7  }
0x7: {  	s7 =	stileid.u32;
	s15 =	simm.s32 $0x7;
	s17 =	simm.s32 $0x1A380;
	v0 =	vunpack.c.0.s8.s32 v0;
	v2 =	vunpack.c.0.s8.s32 v2;
	v3 =	vunpack.c.0.s8.s32 v3  }
0x8: {  	s18 =	simm.s32 $0x64;
	s19 =	simm.s32 $0x380;
	s20 =	simm.s32 $0x80;
	v4 =	vunpack.c.0.s8.s32 v4;
	v6 =	vunpack.c.0.s8.s32 v6;
	v7 =	vunpack.c.0.s8.s32 v7  }
0x9: {  	s21 =	simm.s32 $0x3580;
	s22 =	simm.s32 $0x6;
	s23 =	simm.s32 $0x4;
	v5 =	vunpack.c.0.s8.s32 v5;
	v1 =	vunpack.c.0.s8.s32 v1;
	v2 =	vcombine.low v3, v2  }
0xa: {  	s24 =	simm.s32 $0x5;
	s25 =	simm.s32 $0x0;
	[smem:$0x7FF] =	sst s6;
	v63 =	vcombine.low v7, v6;
	v0 =	vand.u32 $0xF, v0  }
0xb: {  	s8 =	sadd.s32 $0x400, s1;
	s4 =	sand.u32 $0x1, s4;
	s7 =	sshll.u32 s7, $0x6;
	v3 =	vcombine.low v5, v4;
	v10 =	vcombine.low v0, v1;
	v0 =	vand.u32 $0xF, v2  }
0xc: {  	_ =	strace $0x80000047;
	s5 =	ssub.s32 $0x2, s4;
	s4 =	sshll.u32 s4, $0x5;
	v2 =	vand.u32 $0xF, v63;
	[tilespmem:$0x1FFC0] =	vst v0  }
0xd: {  	s9 =	sadd.s32 $0x1200, s1;
	s30 =	sshrl.u32 s5, $0x1;
	s10 =	sor.u32 s4, s7;
	v1 =	vand.u32 $0xF, v3;
	[tilespmem:$0x1FFD0] =	vst v2  }
0xe: {  	s1 =	ssub.s32 s5, s30;
	s4 =	sshll.u32 s10, $0x5;
	s31 =	sshll.u32 s10, $0x4;
	[tilespmem:$0x1FFE0] =	vst v1  }
0xf: {  	s11 =	sadd.s32 s0, s4;
	s12 =	sadd.s32 s2, s31;
	s13 =	smax.u32 s1, $0x1;
	[tilespmem:$0x1FFF0] =	vst v10  }
.LBB2_1:
0x10: {  	s1 =	simm.s32 $0x13B00  }
0x11: {  	[tilespmem:s1], [sflag:$0x7] =	stream.linear.gather [hbm4b:s8+s6], $0x6480, $0x38;
	[tilespmem:$0x1A400] =	vst v63  }
0x12: {  	_ =	swait.ge [sflag:s15], $0x6480  }
0x13: {  	[sflag:s15] =	ssyncset.done $0x0  }
0x14: {  	[sflag:s15] =	ssyncadd.s32 $0xFFFF9B80  }
0x15: {  	s4 =	simm.s32 $0x1A300;
	s30 =	rddreg [dreg:$0x4]  }
0x16: {  	[tilespmem:s4], [sflag:$0x7] =	stream.linear.gather [hbm4b:s30+s6], $0x80, $0x38;
	[tilespmem:$0x1A400] =	vst v63  }
0x17: {  	_ =	swait.ge [sflag:s15], $0x80  }
0x18: {  	[sflag:s15] =	ssyncset.done $0x0  }
0x19: {  	[sflag:s15] =	ssyncadd.s32 $0xFFFFFF80  }
0x1a: {  	s31 =	rddreg [dreg:$0x5]  }
0x1b: {  	[tilespmem:s17], [sflag:$0x7] =	stream.linear.gather [hbm4b:s31+s6], $0x80, $0x38;
	[tilespmem:$0x1A400] =	vst v63  }
0x1c: {  	_ =	swait.ge [sflag:s15], $0x80  }
0x1d: {  	[sflag:s15] =	ssyncset.done $0x0  }
0x1e: {  	[sflag:s15] =	ssyncadd.s32 $0xFFFFFF80  }
0x1f: {  	v3 =	vld [tilespmem:$0x1A300];
	_ =	sdelay $0x4  }
0x20: {  	[tilespmem:$0x1FEC0] =	vst v3;
	v3 =	vld [tilespmem:$0x1A310];
	_ =	sdelay $0x4  }
0x21: {  	[tilespmem:$0x1FED0] =	vst v3;
	v3 =	vld [tilespmem:$0x1A320];
	_ =	sdelay $0x4  }
0x22: {  	[tilespmem:$0x1FEE0] =	vst v3;
	v3 =	vld [tilespmem:$0x1A330];
	_ =	sdelay $0x4  }
0x23: {  	[tilespmem:$0x1FEF0] =	vst v3;
	v3 =	vld [tilespmem:$0x1A340];
	_ =	sdelay $0x4  }
0x24: {  	[tilespmem:$0x1FF00] =	vst v3;
	v3 =	vld [tilespmem:$0x1A350];
	_ =	sdelay $0x4  }
0x25: {  	[tilespmem:$0x1FF10] =	vst v3;
	v3 =	vld [tilespmem:$0x1A360];
	_ =	sdelay $0x4  }
0x26: {  	[tilespmem:$0x1FF20] =	vst v3;
	v3 =	vld [tilespmem:$0x1A370];
	_ =	sdelay $0x4  }
0x27: {  	[tilespmem:$0x1FF30] =	vst v3;
	v3 =	vld [tilespmem:$0x1A380];
	_ =	sdelay $0x4  }
0x28: {  	[tilespmem:$0x1FF40] =	vst v3;
	v3 =	vld [tilespmem:$0x1A390];
	_ =	sdelay $0x4  }
0x29: {  	[tilespmem:$0x1FF50] =	vst v3;
	v3 =	vld [tilespmem:$0x1A3A0];
	_ =	sdelay $0x4  }
0x2a: {  	[tilespmem:$0x1FF60] =	vst v3;
	v3 =	vld [tilespmem:$0x1A3B0];
	_ =	sdelay $0x4  }
0x2b: {  	[tilespmem:$0x1FF70] =	vst v3;
	v3 =	vld [tilespmem:$0x1A3C0];
	_ =	sdelay $0x4  }
0x2c: {  	[tilespmem:$0x1FF80] =	vst v3;
	v3 =	vld [tilespmem:$0x1A3D0];
	_ =	sdelay $0x4  }
0x2d: {  	[tilespmem:$0x1FF90] =	vst v3;
	v3 =	vld [tilespmem:$0x1A3E0];
	_ =	sdelay $0x4  }
0x2e: {  	[tilespmem:$0x1FFA0] =	vst v3;
	v3 =	vld [tilespmem:$0x1A3F0];
	_ =	sdelay $0x3  }
0x2f: {  	[tilespmem:s6], [sflag:$0x7] =	stream.linear.gather [hbm4b:s11+s6], $0x100, $0x38;
	[tilespmem:$0x1A400] =	vst v63  }
0x30: {  	[tilespmem:$0x1FFB0] =	vst v3  }
0x31: {  	_ =	swait.ge [sflag:s15], $0x100  }
0x32: {  	[sflag:s15] =	ssyncset.done $0x0  }
0x33: {  	s26 =	simm.s32 $0x300;
	[sflag:s15] =	ssyncadd.s32 $0xFFFFFF00  }
0x34: {  	[tilespmem:s26], [sflag:$0x7] =	stream.linear.gather [hbm4b:s12+s6], $0x80, $0x38;
	[tilespmem:$0x1A400] =	vst v63  }
0x35: {  	_ =	swait.ge [sflag:s15], $0x80  }
0x36: {  	[sflag:s15] =	ssyncset.done $0x0  }
0x37: {  	[sflag:s15] =	ssyncadd.s32 $0xFFFFFF80  }
0x38: {  	[tilespmem:s19], [sflag:$0x1] =	stream.indirect.gather [hbm4b:s3+s18], $0x80, s6, s18, $0xb8;
	[tilespmem:$0x1A400] =	vst v63  }
0x39: {  	s29 =	simm.s32 $0x0  }
0x3a: {  	[tilespmem:s21], [sflag:$0x1] =	stream.indirect.gather [hbm4b:s3+s18], $0x80, s20, s18, $0xb8;
	[tilespmem:$0x1A400] =	vst v63  }
.LBB2_2:
0x3b: {  	s1 =	smul.u32 $0xAB, s29;
	_ =	sdelay $0x1  }
0x3c: {  	s4 =	sadd.s32 $0xAB, s1  }
0x3d: {  	s4 =	sshrl.u32 s4, $0x9  }
0x3e: {  	s4 =	sand.u32 $0x7F, s4  }
0x3f: {  	s4 =	smul.u32 $0x3, s4  }
0x40: {  	s28 =	sadd.s32 $0x1, s29;
	p0 =	seq.s32 s29, $0x1F  }
0x41: {  	p1 =	slt.u32 @!p0 s29, $0x2;
	s4 =	ssub.s32 s28, s4  }
0x42: {  	p1 =	por p1, p0;
	s4 =	sand.u32 $0xFF, s4  }
0x43: {  	s7 =	sor.u32 @!p0 s10, s29;
	s5 =	sadd.s32 @!p1 $0x4, s4  }
0x44: {  	s7 =	sadd.s32 @!p0 $0x1, s7;
	_ =	swait.ge @!p1 [sflag:s5], $0x6480  }
0x45: {  	s14 =	sshll.u32 @!p0 s7, $0x5;
	[sflag:s5] =	ssyncset.done @!p1 $0x0  }
0x46: {  	s30 =	simm.s32 @!p0 $0x0;
	[sflag:s5] =	ssyncadd.s32 @!p1 $0xFFFF9B80;
	s5 =	sand.u32 @!p0 $0x1FFFFFE0, s14  }
0x47: {  	s1 =	sshrl.u32 s1, $0x9;
	s14 =	sshll.u32 @!p0 s4, $0x8;
	s5 =	sadd.s32 @!p0 s0, s5  }
0x48: {  	[tilespmem:s14], [sflag:$0x7] =	stream.linear.gather @!p0 [hbm4b:s5+s30], $0x100, $0x38;
	[tilespmem:$0x1A400] =	vst v63  }
0x49: {  	s7 =	sshll.u32 @!p0 s7, $0x4;
	s31 =	smul.u32 @!p0 $0x1A000, s4;
	s5 =	simm.s32 @!p0 $0x7  }
0x4a: {  	s1 =	sand.u32 $0x7F, s1;
	s7 =	sand.u32 @!p0 $0x1FFFFFF0, s7;
	_ =	swait.ge @!p0 [sflag:s5], $0x100  }
0x4b: {  	s1 =	smul.u32 $0x3, s1;
	s31 =	sshrl.u32 @!p0 s31, $0x2;
	[sflag:s5] =	ssyncset.done @!p0 $0x0  }
0x4c: {  	s7 =	sadd.s32 @!p0 s2, s7;
	s16 =	sor.u32 @!p0 $0x300, s31;
	[sflag:s5] =	ssyncadd.s32 @!p0 $0xFFFFFF00  }
0x4d: {  	[tilespmem:s16], [sflag:$0x7] =	stream.linear.gather @!p0 [hbm4b:s7+s30], $0x80, $0x38;
	[tilespmem:$0x1A400] =	vst v63  }
0x4e: {  	_ =	swait.ge @!p0 [sflag:s5], $0x80  }
0x4f: {  	s1 =	ssub.s32 s29, s1;
	s4 =	sadd.s32 @!p0 $0x1, s4;
	[sflag:s5] =	ssyncset.done @!p0 $0x0  }
0x50: {  	s7 =	simm.s32 @!p0 $0x64;
	[sflag:s5] =	ssyncadd.s32 @!p0 $0xFFFFFF80;
	s5 =	sor.u32 @!p0 $0x380, s31  }
0x51: {  	[tilespmem:s5], [sflag:s4] =	stream.indirect.gather @!p0 [hbm4b:s3+s7], $0x80, s14, s7, $0xb8;
	[tilespmem:$0x1A400] =	vst v63  }
0x52: {  	s30 =	sand.u32 $0xFF, s1;
	s1 =	sadd.s32 @!p0 $0x3580, s31;
	s5 =	sor.u32 @!p0 $0x80, s14  }
0x53: {  	[tilespmem:s1], [sflag:s4] =	stream.indirect.gather @!p0 [hbm4b:s3+s7], $0x80, s5, s7, $0xb8;
	[tilespmem:$0x1A400] =	vst v63  }
0x54: {  	s5 =	sadd.s32 $0x1, s30  }
0x55: {  	_ =	swait.ge [sflag:s5], $0x3200  }
0x56: {  	[sflag:s5] =	ssyncset.done $0x0  }
0x57: {  	s7 =	smulhi.u32 $0xAAAAAAAB, s29;
	[sflag:s5] =	ssyncadd.s32 $0xFFFFCE00  }
0x58: {  	_ =	swait.ge [sflag:s5], $0x3200  }
0x59: {  	s4 =	sshrl.u32 s7, $0x1;
	[sflag:s5] =	ssyncset.done $0x0  }
0x5a: {  	s31 =	simm.s32 $0x0;
	s4 =	smul.u32 $0xFFFB2000, s4;
	[sflag:s5] =	ssyncadd.s32 $0xFFFFCE00  }
0x5b: {  	v4 =	vld [tilespmem:s31+$0x13C00]  }
0x5c: {  	s14 =	sshra.s32 s4, $0x2;
	v5 =	vld [tilespmem:s31+$0x13C10]  }
0x5d: {  	s1 =	sadd.s32 s14, s26;
	v6 =	vld [tilespmem:s31+$0x13C20]  }
0x5e: {  	v20 =	vmov s1;
	v7 =	vld [tilespmem:s31+$0x13C30]  }
0x5f: {  	v8 =	vld [tilespmem:s31+$0x13C40]  }
0x60: {  	v21 =	vld [tilespmem:s31+$0x13C50]  }
0x61: {  	v22 =	vld [tilespmem:s31+$0x13C60]  }
0x62: {  	v31 =	vld [tilespmem:s31+$0x13C70]  }
0x63: {  	v23 =	vld.idx.msk [tilespmem:v20+s31+$0x100 ss:$0x1], $0xffff  }
0x64: {  	v24 =	vld.idx.msk [tilespmem:v20+s31+$0x110 ss:$0x1], $0xffff  }
0x65: {  	v25 =	vld.idx.msk [tilespmem:v20+s31+$0x120 ss:$0x1], $0xffff  }
0x66: {  	v26 =	vld.idx.msk [tilespmem:v20+s31+$0x130 ss:$0x1], $0xffff  }
0x67: {  	v27 =	vld.idx.msk [tilespmem:v20+s31+$0x140 ss:$0x1], $0xffff  }
0x68: {  	v28 =	vld.idx.msk [tilespmem:v20+s31+$0x150 ss:$0x1], $0xffff  }
0x69: {  	v29 =	vld.idx.msk [tilespmem:v20+s31+$0x160 ss:$0x1], $0xffff  }
0x6a: {  	v30 =	vld.idx.msk [tilespmem:v20+s31+$0x170 ss:$0x1], $0xffff;
	_ =	sdelay $0x1  }
0x6b: {  	v36 =	vadd.f32 v4, v23;
	v5 =	vadd.f32 v5, v24  }
0x6c: {  	v42 =	vadd.f32 v6, v25;
	v35 =	vadd.f32 v7, v26  }
0x6d: {  	v34 =	vadd.f32 v8, v27;
	v33 =	vadd.f32 v21, v28  }
0x6e: {  	v32 =	vadd.f32 v22, v29;
	v31 =	vadd.f32 v31, v30  }
0x6f: {  	v21 =	vadd.f32 v5, v36;
	v22 =	vadd.f32 v35, v42;
	v23 =	vmul.f32 v36, v36  }
0x70: {  	v25 =	vadd.f32 v33, v34;
	v26 =	vmul.f32 v5, v5;
	v27 =	vmul.f32 v42, v42  }
0x71: {  	v41 =	vld [tilespmem:s31+$0x13B30];
	v29 =	vadd.f32 v31, v32;
	v30 =	vmul.f32 v35, v35;
	v37 =	vmul.f32 v34, v34  }
0x72: {  	v50 =	vld [tilespmem:s31+$0x13B40];
	v38 =	vmul.f32 v33, v33;
	v39 =	vmul.f32 v32, v32  }
0x73: {  	v51 =	vld [tilespmem:s31+$0x13B50];
	v21 =	vadd.f32 v22, v21;
	v22 =	vadd.f32 v29, v25;
	v25 =	vmul.f32 v31, v31  }
0x74: {  	v62 =	vld [tilespmem:s31+$0x13BA0];
	v23 =	vadd.f32 v26, v23;
	v26 =	vadd.f32 v30, v27  }
0x75: {  	v53 =	vld [tilespmem:s31+$0x13BB0];
	v27 =	vadd.f32 v38, v37;
	v25 =	vadd.f32 v25, v39  }
0x76: {  	v63 =	vld [tilespmem:s31+$0x13BD0];
	v21 =	vadd.f32 v22, v21  }
0x77: {  	v43 =	vld.idx.msk [tilespmem:v20+s31+$0x60 ss:$0x1], $0xffff;
	v23 =	vadd.f32 v26, v23;
	v25 =	vadd.f32 v25, v27  }
0x78: {  	v44 =	vld.idx.msk [tilespmem:v20+s31+$0x70 ss:$0x1], $0xffff  }
0x79: {  	v45 =	vld.idx.msk [tilespmem:v20+s31+$0xA0 ss:$0x1], $0xffff;
	v23 =	vadd.f32 v25, v23;
	v25 =	vperm.xlane v21, v10  }
0x7a: {  	v46 =	vld.idx.msk [tilespmem:v20+s31+$0xC0 ss:$0x1], $0xffff  }
0x7b: {  	v47 =	vld.idx.msk [tilespmem:v20+s31+$0xD0 ss:$0x1], $0xffff;
	v21 =	vadd.f32 v21, v25;
	v25 =	vperm.xlane v23, v10  }
0x7c: {  	v4 =	vld.idx.msk [tilespmem:v20+s31+$0x0 ss:$0x1], $0xffff  }
0x7d: {  	v6 =	vld.idx.msk [tilespmem:v20+s31+$0x10 ss:$0x1], $0xffff;
	v60 =	vperm.xlane v21, v0;
	v23 =	vadd.f32 v25, v23  }
0x7e: {  	v26 =	vld [tilespmem:s31+$0x13B00]  }
0x7f: {  	v7 =	vld.idx.msk [tilespmem:v20+s31+$0x20 ss:$0x1], $0xffff;
	v21 =	vadd.f32 v21, v60;
	v61 =	vperm.xlane v23, v0  }
0x80: {  	v27 =	vld [tilespmem:s31+$0x13B10]  }
0x81: {  	v8 =	vld.idx.msk [tilespmem:v20+s31+$0x30 ss:$0x1], $0xffff;
	v40 =	vperm.xlane v21, v1;
	v23 =	vadd.f32 v61, v23  }
0x82: {  	v28 =	vld.idx.msk [tilespmem:v20+s31+$0x50 ss:$0x1], $0xffff  }
0x83: {  	v24 =	vld.idx.msk [tilespmem:v20+s31+$0x40 ss:$0x1], $0xffff;
	v39 =	vadd.f32 v26, v4;
	v21 =	vadd.f32 v21, v40;
	v4 =	vperm.xlane v23, v1  }
0x84: {  	v25 =	vld [tilespmem:s31+$0x13B20]  }
0x85: {  	v29 =	vld.idx.msk [tilespmem:v20+s31+$0x80 ss:$0x1], $0xffff;
	v38 =	vadd.f32 v27, v6;
	v27 =	vperm.xlane v21, v2;
	v23 =	vadd.f32 v4, v23  }
0x86: {  	v30 =	vld.idx.msk [tilespmem:v20+s31+$0x90 ss:$0x1], $0xffff;
	v37 =	vadd.f32 v41, v8  }
0x87: {  	v41 =	vadd.f32 v51, v28;
	v6 =	vld [tilespmem:s31+$0x13B70];
	v21 =	vadd.f32 v21, v27;
	v28 =	vperm.xlane v23, v2  }
0x88: {  	v26 =	vld [tilespmem:s31+$0x13B60]  }
0x89: {  	v40 =	vadd.f32 v25, v7;
	v7 =	vld [tilespmem:s31+$0x13B80];
	v55 =	vmul.f32 $7.812500000e-03, v21;
	v21 =	vadd.f32 v28, v23  }
0x8a: {  	v11 =	vadd.f32 v62, v45;
	v22 =	vld.idx.msk [tilespmem:v20+s31+$0xB0 ss:$0x1], $0xffff  }
0x8b: {  	v24 =	vadd.f32 v50, v24;
	v25 =	vld [tilespmem:s31+$0x13B90];
	v21 =	vmul.f32 $7.812500000e-03, v21;
	v23 =	vmul.f32 v55, v55  }
0x8c: {  	v8 =	vadd.f32 v38, v39;
	v27 =	vadd.f32 v6, v44;
	v6 =	vld [tilespmem:s31+$0x13BC0]  }
0x8d: {  	v3 =	vadd.f32 v26, v43;
	v21 =	vsub.f32 v21, v23  }
0x8e: {  	v48 =	vld.idx.msk [tilespmem:v20+s31+$0xE0 ss:$0x1], $0xffff;
	v43 =	vadd.f32 v41, v24;
	v9 =	vadd.f32 v7, v29  }
0x8f: {  	v49 =	vld.idx.msk [tilespmem:v20+s31+$0xF0 ss:$0x1], $0xffff;
	v52 =	vmul.f32 v39, v39;
	v26 =	vadd.f32 v63, v47;
	v13 =	vadd.f32 $9.999999960e-13, v21  }
0x90: {  	v54 =	vmul.f32 v38, v38;
	v4 =	vadd.f32 v53, v22;
	v29 =	vadd.f32 v25, v30;
	[tilespmem:$0x1FD40] =	vst v9  }
0x91: {  	v57 =	vld [tilespmem:s31+$0x13BE0];
	v25 =	vadd.f32 v6, v46;
	v14 =	vshra.s32 v13, $0x1;
	v46 =	vmul.f32 $5.000000000e-01, v13  }
0x92: {  	v51 =	vadd.f32 v37, v40;
	v56 =	vmul.f32 v40, v40;
	v59 =	vld [tilespmem:s31+$0x13BF0];
	v53 =	vsub.s32 $0x5F3759DF, v14  }
0x93: {  	v15 =	vadd.f32 v4, v11;
	v58 =	vadd.f32 v27, v3;
	v62 =	vmul.f32 v53, v46  }
0x94: {  	v8 =	vadd.f32 v51, v8;
	v51 =	vadd.f32 v54, v52;
	v7 =	vmul.f32 v37, v37  }
0x95: {  	v44 =	vmul.f32 v27, v27;
	v43 =	vadd.f32 v58, v43;
	v58 =	vmul.f32 v53, v62  }
0x96: {  	v30 =	vmovc v3;
	v7 =	vadd.f32 v7, v56;
	v6 =	vmul.f32 v3, v3;
	v3 =	vadd.f32 v57, v48  }
0x97: {  	v45 =	vmul.f32 v24, v24;
	v17 =	vadd.f32 v59, v49;
	v13 =	vsub.f32 $1.500000000e+00, v58  }
0x98: {  	v12 =	vmul.f32 v41, v41;
	v60 =	vadd.f32 v26, v25;
	v6 =	vadd.f32 v44, v6  }
0x99: {  	v48 =	vadd.f32 v29, v9;
	v61 =	vadd.f32 v17, v3;
	v44 =	vmul.f32 v53, v13  }
0x9a: {  	v45 =	vadd.f32 v12, v45;
	v7 =	vadd.f32 v7, v51  }
0x9b: {  	v48 =	vadd.f32 v15, v48;
	v15 =	vadd.f32 v61, v60;
	v51 =	vmul.f32 v44, v46  }
0x9c: {  	v8 =	vadd.f32 v43, v8  }
0x9d: {  	v6 =	vadd.f32 v6, v45;
	v52 =	vadd.f32 v15, v48;
	v43 =	vmul.f32 v51, v44;
	_ =	sdelay $0x1  }
0x9e: {  	v7 =	vadd.f32 v6, v7;
	v6 =	vperm.xlane v52, v10;
	v43 =	vsub.f32 $1.500000000e+00, v43  }
0x9f: {  	v16 =	vmul.f32 v11, v11;
	[tilespmem:$0x1FD50] =	vst v11;
	v11 =	vld [tilespmem:$0x1FEC0]  }
0xa0: {  	v36 =	vsub.f32 v36, v55;
	v45 =	vadd.f32 v52, v6;
	v6 =	vmul.f32 v43, v44  }
0xa1: {  	[tilespmem:$0x1FD80] =	vst v3;
	v12 =	vmul.f32 v3, v3;
	v3 =	vld [tilespmem:$0x1FF40]  }
0xa2: {  	v36 =	vmul.f32 v6, v36;
	_ =	sdelay $0x1  }
0xa3: {  	v14 =	vmul.f32 v17, v17;
	v36 =	vmul.f32 v36, v11;
	_ =	sdelay $0x1  }
0xa4: {  	v50 =	vadd.f32 v14, v12;
	v12 =	vld [tilespmem:$0x1FED0];
	v3 =	vadd.f32 v36, v3  }
0xa5: {  	v5 =	vsub.f32 v5, v55  }
0xa6: {  	[tilespmem:$0x1FD70] =	vst v3;
	v3 =	vld [tilespmem:$0x1FF50]  }
0xa7: {  	v5 =	vmul.f32 v6, v5;
	_ =	sdelay $0x1  }
0xa8: {  	v59 =	vmul.f32 v5, v12  }
0xa9: {  	v58 =	vperm.xlane v45, v0  }
0xaa: {  	s1 =	simm.s32 $0x180;
	v63 =	vmul.f32 v4, v4;
	v47 =	vmul.f32 v9, v9;
	[tilespmem:$0x1FD60] =	vst v4;
	v13 =	vld [tilespmem:$0x1FEE0];
	v3 =	vadd.f32 v59, v3  }
0xab: {  	v42 =	vsub.f32 v42, v55;
	v4 =	vmul.f32 v25, v25;
	v60 =	vadd.f32 v45, v58;
	v45 =	vld [tilespmem:s1+$0x13C00]  }
0xac: {  	v49 =	vmul.f32 v29, v29;
	v62 =	vmul.f32 v26, v26;
	[tilespmem:$0x1FD90] =	vst v3;
	v3 =	vld [tilespmem:$0x1FF60]  }
0xad: {  	v16 =	vadd.f32 v63, v16;
	v42 =	vmul.f32 v6, v42  }
0xae: {  	v47 =	vadd.f32 v49, v47;
	v4 =	vadd.f32 v62, v4  }
0xaf: {  	v42 =	vmul.f32 v42, v13  }
0xb0: {  	v47 =	vadd.f32 v16, v47;
	v14 =	vld [tilespmem:$0x1FEF0];
	v4 =	vadd.f32 v50, v4  }
0xb1: {  	v43 =	vld [tilespmem:s1+$0x13C10];
	v3 =	vadd.f32 v42, v3  }
0xb2: {  	v35 =	vsub.f32 v35, v55;
	v4 =	vadd.f32 v4, v47;
	v47 =	vld [tilespmem:s1+$0x13C20]  }
0xb3: {  	[tilespmem:$0x1FDA0] =	vst v3;
	v3 =	vld [tilespmem:$0x1FF70]  }
0xb4: {  	v35 =	vmul.f32 v6, v35;
	_ =	sdelay $0x1  }
0xb5: {  	v35 =	vmul.f32 v35, v14  }
0xb6: {  	v15 =	vld [tilespmem:$0x1FF00]  }
0xb7: {  	v50 =	vld [tilespmem:s1+$0x13C30];
	v3 =	vadd.f32 v35, v3  }
0xb8: {  	v34 =	vsub.f32 v34, v55;
	v53 =	vperm.xlane v8, v10;
	v51 =	vld [tilespmem:s1+$0x13C40]  }
0xb9: {  	v57 =	vperm.xlane v4, v10;
	[tilespmem:$0x1FDB0] =	vst v3;
	v3 =	vld [tilespmem:$0x1FF80]  }
0xba: {  	v54 =	vperm.xlane v7, v10;
	v16 =	vld [tilespmem:$0x1FF10];
	v8 =	vadd.f32 v8, v53;
	v34 =	vmul.f32 v6, v34  }
0xbb: {  	v33 =	vsub.f32 v33, v55;
	v4 =	vadd.f32 v57, v4  }
0xbc: {  	v7 =	vadd.f32 v54, v7;
	v56 =	vperm.xlane v8, v0;
	v58 =	vmul.f32 v34, v15  }
0xbd: {  	v61 =	vperm.xlane v4, v0;
	v48 =	vmul.f32 v6, v33  }
0xbe: {  	v49 =	vsub.f32 v31, v55;
	v31 =	vperm.xlane v7, v0;
	v52 =	vld [tilespmem:s1+$0x13C50];
	v3 =	vadd.f32 v58, v3  }
0xbf: {  	v8 =	vadd.f32 v8, v56;
	v4 =	vadd.f32 v61, v4;
	v61 =	vmul.f32 v48, v16;
	v48 =	vld [tilespmem:s1+$0x13C60]  }
0xc0: {  	v7 =	vadd.f32 v31, v7;
	[tilespmem:$0x1FDC0] =	vst v3;
	v3 =	vld [tilespmem:$0x1FF90]  }
0xc1: {  	v62 =	vperm.xlane v8, v1  }
0xc2: {  	v32 =	vsub.f32 v32, v55;
	v55 =	vperm.xlane v7, v1  }
0xc3: {  	v31 =	vperm.xlane v60, v1;
	v8 =	vadd.f32 v8, v62  }
0xc4: {  	v19 =	vld [tilespmem:$0x1FF20];
	v7 =	vadd.f32 v55, v7  }
0xc5: {  	v56 =	vadd.f32 v60, v31;
	v57 =	vperm.xlane v8, v2;
	v53 =	vld.idx.msk [tilespmem:v20+s1+$0x100 ss:$0x1], $0xffff;
	v3 =	vadd.f32 v61, v3  }
0xc6: {  	v60 =	vperm.xlane v7, v2;
	v46 =	vld.idx.msk [tilespmem:v20+s1+$0x110 ss:$0x1], $0xffff  }
0xc7: {  	v8 =	vadd.f32 v8, v57;
	v59 =	vperm.xlane v56, v2;
	[tilespmem:$0x1FDD0] =	vst v3;
	v3 =	vld [tilespmem:$0x1FFA0]  }
0xc8: {  	v63 =	vmul.f32 v6, v32;
	v7 =	vadd.f32 v60, v7;
	v31 =	vperm.xlane v4, v1  }
0xc9: {  	v8 =	vmul.f32 $7.812500000e-03, v8;
	v34 =	vadd.f32 v56, v59  }
0xca: {  	v63 =	vmul.f32 v63, v19;
	v7 =	vmul.f32 $7.812500000e-03, v7;
	v4 =	vadd.f32 v31, v4  }
0xcb: {  	v44 =	vmul.f32 $7.812500000e-03, v34;
	v34 =	vmul.f32 v8, v8  }
0xcc: {  	v62 =	vperm.xlane v4, v2;
	v3 =	vadd.f32 v63, v3  }
0xcd: {  	v7 =	vsub.f32 v7, v34;
	v54 =	vld.idx.msk [tilespmem:v20+s1+$0x120 ss:$0x1], $0xffff  }
0xce: {  	v4 =	vadd.f32 v62, v4;
	[tilespmem:$0x1FDE0] =	vst v3;
	v3 =	vld [tilespmem:$0x1FD40]  }
0xcf: {  	v6 =	vmul.f32 v6, v49;
	v7 =	vadd.f32 $9.999999960e-13, v7;
	v56 =	vld.idx.msk [tilespmem:v20+s1+$0x130 ss:$0x1], $0xffff  }
0xd0: {  	v57 =	vsub.f32 v39, v8;
	v28 =	vsub.f32 v40, v8;
	v4 =	vmul.f32 $7.812500000e-03, v4;
	v58 =	vld.idx.msk [tilespmem:v20+s1+$0x140 ss:$0x1], $0xffff  }
0xd1: {  	v36 =	vmul.f32 v44, v44;
	v33 =	vshra.s32 v7, $0x1;
	v23 =	vmul.f32 $5.000000000e-01, v7;
	v55 =	vld.idx.msk [tilespmem:v20+s1+$0x150 ss:$0x1], $0xffff  }
0xd2: {  	v49 =	vsub.f32 v30, v8;
	v61 =	vsub.f32 v37, v8;
	v37 =	vsub.s32 $0x5F3759DF, v33;
	v60 =	vld.idx.msk [tilespmem:v20+s1+$0x160 ss:$0x1], $0xffff  }
0xd3: {  	v59 =	vsub.f32 v38, v8;
	v4 =	vsub.f32 v4, v36;
	v35 =	vmul.f32 v37, v23;
	v32 =	vld.idx.msk [tilespmem:v20+s1+$0x170 ss:$0x1], $0xffff  }
0xd4: {  	v45 =	vadd.f32 v45, v53;
	v42 =	vadd.f32 v43, v46;
	v5 =	vld [tilespmem:s1+$0x13C70]  }
0xd5: {  	v4 =	vadd.f32 $9.999999960e-13, v4;
	v43 =	vadd.f32 v47, v54;
	v47 =	vmul.f32 v37, v35;
	v31 =	vld.idx.msk [tilespmem:v20+s1+$0x10 ss:$0x1], $0xffff  }
0xd6: {  	v36 =	vsub.f32 v24, v8;
	v38 =	vadd.f32 v42, v45;
	v62 =	vld.idx.msk [tilespmem:v20+s1+$0x30 ss:$0x1], $0xffff  }
0xd7: {  	v34 =	vshra.s32 v4, $0x1;
	v63 =	vsub.f32 v41, v8;
	v47 =	vsub.f32 $1.500000000e+00, v47;
	v9 =	vld.idx.msk [tilespmem:v20+s1+$0x40 ss:$0x1], $0xffff  }
0xd8: {  	v53 =	vmul.f32 v42, v42;
	v33 =	vld.idx.msk [tilespmem:v20+s1+$0x50 ss:$0x1], $0xffff;
	v39 =	vadd.f32 v50, v56;
	v40 =	vadd.f32 v51, v58  }
0xd9: {  	v30 =	vld.idx.msk [tilespmem:v20+s1+$0xB0 ss:$0x1], $0xffff;
	v37 =	vmul.f32 v37, v47;
	v55 =	vadd.f32 v52, v55;
	v41 =	vadd.f32 v48, v60  }
0xda: {  	v47 =	vld.idx.msk [tilespmem:v20+s1+$0x80 ss:$0x1], $0xffff;
	v35 =	vadd.f32 v5, v32;
	v51 =	vmul.f32 v45, v45;
	v60 =	vmul.f32 v43, v43  }
0xdb: {  	v56 =	vld.idx.msk [tilespmem:v20+s1+$0x0 ss:$0x1], $0xffff;
	v50 =	vadd.f32 v39, v43;
	v52 =	vadd.f32 v55, v40;
	v21 =	vmul.f32 v39, v39  }
0xdc: {  	v24 =	vmul.f32 $5.000000000e-01, v4;
	v58 =	vld.idx.msk [tilespmem:v20+s1+$0x20 ss:$0x1], $0xffff;
	v4 =	vadd.f32 v35, v41;
	v51 =	vadd.f32 v53, v51  }
0xdd: {  	v48 =	vadd.f32 v50, v38;
	v38 =	vld.idx.msk [tilespmem:v20+s1+$0x60 ss:$0x1], $0xffff;
	v21 =	vadd.f32 v21, v60  }
0xde: {  	v60 =	vmov v0;
	v0 =	vld.idx.msk [tilespmem:v20+s1+$0x70 ss:$0x1], $0xffff  }
0xdf: {  	v4 =	vadd.f32 v4, v52;
	v50 =	vld.idx.msk [tilespmem:v20+s1+$0xA0 ss:$0x1], $0xffff;
	v21 =	vadd.f32 v21, v51  }
0xe0: {  	v52 =	vld.idx.msk [tilespmem:v20+s1+$0xC0 ss:$0x1], $0xffff;
	v51 =	vsub.f32 v3, v44;
	v3 =	vsub.f32 v29, v44  }
0xe1: {  	v4 =	vadd.f32 v4, v48;
	v48 =	vld.idx.msk [tilespmem:v20+s1+$0x90 ss:$0x1], $0xffff  }
0xe2: {  	[tilespmem:$0x1FDF0] =	vst v3;
	v3 =	vld [tilespmem:$0x1FD50];
	_ =	sdelay $0x3  }
0xe3: {  	v46 =	vsub.s32 $0x5F3759DF, v34;
	v22 =	vmul.f32 v40, v40;
	v5 =	vmul.f32 v55, v55  }
0xe4: {  	v7 =	vmul.f32 v41, v41;
	v32 =	vmul.f32 v35, v35;
	v54 =	vsub.f32 v3, v44;
	v3 =	vld [tilespmem:$0x1FD60]  }
0xe5: {  	v34 =	vmul.f32 v46, v24  }
0xe6: {  	v5 =	vadd.f32 v5, v22;
	v7 =	vadd.f32 v32, v7  }
0xe7: {  	v22 =	vmul.f32 v46, v34  }
0xe8: {  	v5 =	vadd.f32 v7, v5  }
0xe9: {  	v7 =	vsub.f32 $1.500000000e+00, v22;
	v3 =	vsub.f32 v3, v44  }
0xea: {  	v32 =	vld.idx.msk [tilespmem:v20+s1+$0xD0 ss:$0x1], $0xffff  }
0xeb: {  	v7 =	vmul.f32 v46, v7;
	v46 =	vld.idx.msk [tilespmem:v20+s1+$0xE0 ss:$0x1], $0xffff;
	[tilespmem:$0x1FE00] =	vst v3;
	v3 =	vsub.f32 v25, v44;
	_ =	sdelay $0x1  }
0xec: {  	v34 =	vld.idx.msk [tilespmem:v20+s1+$0xF0 ss:$0x1], $0xffff;
	[tilespmem:$0x1FE10] =	vst v3;
	v3 =	vsub.f32 v26, v44  }
0xed: {  	v25 =	vld [tilespmem:s1+$0x13B00]  }
0xee: {  	[tilespmem:$0x1FE20] =	vst v3;
	v3 =	vld [tilespmem:$0x1FD70];
	_ =	sdelay $0x4  }
0xef: {  	v18 =	vld [tilespmem:$0x1FF30];
	v22 =	vmul.f32 v37, v23;
	[tilespmem:v20+s31+$0x100 ss:$0x1] =	vst.idx.msk $0xffff, v3  }
0xf0: {  	v5 =	vadd.f32 v5, v21;
	v21 =	vperm.xlane v4, v10;
	v3 =	vld [tilespmem:$0x1FD80]  }
0xf1: {  	v22 =	vmul.f32 v22, v37  }
0xf2: {  	v4 =	vadd.f32 v4, v21;
	v21 =	vperm.xlane v5, v10  }
0xf3: {  	v24 =	vmul.f32 v7, v24;
	v22 =	vsub.f32 $1.500000000e+00, v22  }
0xf4: {  	v5 =	vadd.f32 v21, v5  }
0xf5: {  	v21 =	vmul.f32 v24, v7;
	v24 =	vmul.f32 v22, v37;
	v3 =	vsub.f32 v3, v44;
	_ =	sdelay $0x1  }
0xf6: {  	v26 =	vld [tilespmem:s1+$0x13B10];
	[tilespmem:$0x1FE30] =	vst v3;
	v3 =	vmul.f32 v24, v57;
	_ =	sdelay $0x1  }
0xf7: {  	[tilespmem:$0x1FE50] =	vst v3;
	v3 =	vmul.f32 v24, v59;
	_ =	sdelay $0x1  }
0xf8: {  	v22 =	vld [tilespmem:s1+$0x13B20];
	[tilespmem:$0x1FE60] =	vst v3;
	v3 =	vsub.f32 v17, v44;
	_ =	sdelay $0x1  }
0xf9: {  	v27 =	vsub.f32 v27, v8;
	v8 =	vld [tilespmem:s1+$0x13B30];
	[tilespmem:$0x1FE40] =	vst v3;
	v3 =	vmul.f32 v24, v28  }
0xfa: {  	v29 =	vperm.xlane v4, v60  }
0xfb: {  	[tilespmem:$0x1FE70] =	vst v3;
	v3 =	vmul.f32 v24, v61  }
0xfc: {  	v4 =	vadd.f32 v4, v29  }
0xfd: {  	v29 =	vperm.xlane v5, v60;
	v23 =	vld [tilespmem:s1+$0x13B40];
	[tilespmem:$0x1FE80] =	vst v3;
	v3 =	vmul.f32 v24, v36  }
0xfe: {  	v53 =	vmul.f32 v6, v18;
	v6 =	vperm.xlane v4, v1  }
0xff: {  	v29 =	vadd.f32 v29, v5;
	v5 =	vld [tilespmem:s1+$0x13B50];
	[tilespmem:$0x1FE90] =	vst v3;
	v3 =	vmul.f32 v24, v63  }
0x100: {  	v4 =	vadd.f32 v4, v6  }
0x101: {  	[tilespmem:$0x1FEA0] =	vst v3  }
0x102: {  	v44 =	vadd.f32 v26, v31;
	v26 =	vperm.xlane v4, v2;
	v3 =	vadd.f32 v25, v56;
	v25 =	vld [tilespmem:s1+$0x13B60]  }
0x103: {  	v31 =	vld [tilespmem:s1+$0x13B70]  }
0x104: {  	v26 =	vadd.f32 v4, v26;
	v4 =	vmul.f32 v24, v27;
	v28 =	vld [tilespmem:s1+$0x13B80]  }
0x105: {  	v17 =	vld [tilespmem:s1+$0x13B90]  }
0x106: {  	[tilespmem:$0x1FEB0] =	vst v4;
	v4 =	vld [tilespmem:$0x1FD90];
	_ =	sdelay $0x4  }
0x107: {  	[tilespmem:v20+s31+$0x110 ss:$0x1] =	vst.idx.msk $0xffff, v4  }
0x108: {  	v63 =	vadd.f32 v25, v38;
	v38 =	vld [tilespmem:$0x1FDA0];
	_ =	sdelay $0x4  }
0x109: {  	v21 =	vsub.f32 $1.500000000e+00, v21;
	[tilespmem:v20+s31+$0x120 ss:$0x1] =	vst.idx.msk $0xffff, v38  }
0x10a: {  	v61 =	vadd.f32 v23, v9;
	v9 =	vld [tilespmem:$0x1FDB0]  }
0x10b: {  	v7 =	vmul.f32 v21, v7;
	v21 =	vperm.xlane v29, v1;
	_ =	sdelay $0x1  }
0x10c: {  	v36 =	vmov v2;
	v2 =	vadd.f32 v21, v29;
	_ =	sdelay $0x1  }
0x10d: {  	v37 =	vperm.xlane v2, v36;
	[tilespmem:v20+s31+$0x130 ss:$0x1] =	vst.idx.msk $0xffff, v9  }
0x10e: {  	v9 =	vld [tilespmem:$0x1FDC0]  }
0x10f: {  	v27 =	vadd.f32 v37, v2;
	v4 =	vmul.f32 $7.812500000e-03, v26  }
0x110: {  	v57 =	vadd.f32 v22, v58;
	v29 =	vadd.f32 v5, v33;
	v33 =	vld [tilespmem:s1+$0x13BB0]  }
0x111: {  	v6 =	vmul.f32 $7.812500000e-03, v27;
	v25 =	vadd.f32 v31, v0;
	v0 =	vld [tilespmem:s1+$0x13BD0];
	v5 =	vmul.f32 v4, v4  }
0x112: {  	v59 =	vadd.f32 v8, v62;
	v27 =	vadd.f32 v17, v48;
	v17 =	vld [tilespmem:s1+$0x13BE0]  }
0x113: {  	v8 =	vld [tilespmem:s1+$0x13BA0];
	v5 =	vsub.f32 v6, v5;
	[tilespmem:v20+s31+$0x140 ss:$0x1] =	vst.idx.msk $0xffff, v9  }
0x114: {  	v62 =	vadd.f32 v59, v57;
	v21 =	vadd.f32 v44, v3;
	v9 =	vld [tilespmem:$0x1FDD0]  }
0x115: {  	v49 =	vmul.f32 v24, v49;
	v24 =	vadd.f32 v28, v47;
	v5 =	vadd.f32 $9.999999960e-13, v5  }
0x116: {  	v58 =	vmul.f32 v3, v3;
	v28 =	vadd.f32 v33, v30;
	v33 =	vadd.f32 v0, v32  }
0x117: {  	v31 =	vld [tilespmem:s1+$0x13BC0];
	v32 =	vadd.f32 v17, v46;
	v17 =	vshra.s32 v5, $0x1;
	v5 =	vmul.f32 $5.000000000e-01, v5  }
0x118: {  	v2 =	vadd.f32 v29, v61;
	v37 =	vadd.f32 v8, v50;
	v8 =	vld [tilespmem:s1+$0x13BF0];
	v46 =	vsub.s32 $0x5F3759DF, v17  }
0x119: {  	v6 =	vadd.f32 v25, v63;
	[tilespmem:v20+s31+$0x150 ss:$0x1] =	vst.idx.msk $0xffff, v9;
	v9 =	vmul.f32 v46, v5  }
0x11a: {  	v48 =	vmul.f32 v57, v57;
	v50 =	vmul.f32 v59, v59  }
0x11b: {  	v47 =	vadd.f32 v62, v21;
	v23 =	vadd.f32 v6, v2;
	v6 =	vmul.f32 v46, v9;
	v9 =	vld [tilespmem:$0x1FDE0]  }
0x11c: {  	v56 =	vmul.f32 v61, v61;
	v48 =	vadd.f32 v50, v48;
	v31 =	vadd.f32 v31, v52  }
0x11d: {  	v0 =	vmul.f32 v63, v63;
	v38 =	vmul.f32 v44, v44;
	v34 =	vadd.f32 v8, v34  }
0x11e: {  	v8 =	vadd.f32 v27, v24;
	v50 =	vadd.f32 v33, v31;
	v17 =	vmul.f32 v25, v25  }
0x11f: {  	v52 =	vmul.f32 v29, v29;
	v38 =	vadd.f32 v38, v58;
	v58 =	vadd.f32 v28, v37  }
0x120: {  	v62 =	vmul.f32 v24, v24;
	v2 =	vadd.f32 v17, v0;
	v17 =	vsub.f32 $1.500000000e+00, v6;
	[tilespmem:v20+s31+$0x160 ss:$0x1] =	vst.idx.msk $0xffff, v9  }
0x121: {  	v52 =	vadd.f32 v52, v56;
	v56 =	vmul.f32 v28, v28;
	v6 =	vmul.f32 v27, v27;
	v9 =	vld [tilespmem:$0x1FDF0]  }
0x122: {  	v8 =	vadd.f32 v58, v8;
	v58 =	vmul.f32 v37, v37;
	v46 =	vmul.f32 v46, v17;
	v21 =	vld [tilespmem:$0x1FFB0]  }
0x123: {  	v17 =	vmul.f32 v31, v31;
	v62 =	vadd.f32 v6, v62;
	v6 =	vmul.f32 v33, v33  }
0x124: {  	v30 =	vmul.f32 v7, v51;
	v51 =	vadd.f32 v34, v32;
	v56 =	vadd.f32 v56, v58  }
0x125: {  	v58 =	vmul.f32 v32, v32;
	v6 =	vadd.f32 v6, v17;
	v17 =	vmul.f32 v34, v34  }
0x126: {  	v50 =	vadd.f32 v51, v50  }
0x127: {  	v26 =	vadd.f32 v17, v58;
	v58 =	vld [tilespmem:$0x1FE00];
	v51 =	vmul.f32 v7, v9;
	v9 =	vadd.f32 v53, v21;
	_ =	sdelay $0x1  }
0x128: {  	v17 =	vld [tilespmem:$0x1FE10];
	[tilespmem:v20+s31+$0x170 ss:$0x1] =	vst.idx.msk $0xffff, v9  }
0x129: {  	v9 =	vld [tilespmem:$0x1FE20]  }
0x12a: {  	v5 =	vmul.f32 v46, v5;
	v53 =	vmul.f32 v7, v54;
	v54 =	vld [tilespmem:$0x1FE30]  }
0x12b: {  	v0 =	vmul.f32 v7, v58;
	v58 =	vld [tilespmem:$0x1FE40]  }
0x12c: {  	v5 =	vmul.f32 v5, v46;
	_ =	sdelay $0x1  }
0x12d: {  	v22 =	vmov v1;
	v5 =	vsub.f32 $1.500000000e+00, v5;
	v1 =	vmul.f32 v7, v17  }
0x12e: {  	v17 =	vadd.f32 v2, v52;
	v9 =	vmul.f32 v7, v9;
	v54 =	vmul.f32 v7, v54  }
0x12f: {  	v58 =	vmul.f32 v7, v58;
	v7 =	vadd.f32 v23, v47;
	v23 =	vadd.f32 v48, v38  }
0x130: {  	v45 =	vsub.f32 v45, v4;
	v5 =	vmul.f32 v5, v46  }
0x131: {  	v2 =	vadd.f32 v17, v23;
	v17 =	vld [tilespmem:$0x1FF40]  }
0x132: {  	v8 =	vadd.f32 v50, v8;
	v50 =	vmul.f32 v5, v45;
	_ =	sdelay $0x1  }
0x133: {  	v38 =	vmul.f32 v50, v11;
	_ =	sdelay $0x1  }
0x134: {  	v38 =	vadd.f32 v38, v17;
	_ =	sdelay $0x1  }
0x135: {  	v42 =	vsub.f32 v42, v4;
	[tilespmem:v20+s1+$0x100 ss:$0x1] =	vst.idx.msk $0xffff, v38  }
0x136: {  	v23 =	vld [tilespmem:$0x1FF50]  }
0x137: {  	v42 =	vmul.f32 v5, v42;
	_ =	sdelay $0x1  }
0x138: {  	v42 =	vmul.f32 v42, v12  }
0x139: {  	v43 =	vsub.f32 v43, v4  }
0x13a: {  	v42 =	vadd.f32 v42, v23;
	v23 =	vld [tilespmem:$0x1FF60]  }
0x13b: {  	v39 =	vsub.f32 v39, v4;
	v40 =	vsub.f32 v40, v4;
	v43 =	vmul.f32 v5, v43  }
0x13c: {  	v55 =	vsub.f32 v55, v4;
	v41 =	vsub.f32 v41, v4  }
0x13d: {  	v4 =	vsub.f32 v35, v4;
	v48 =	vadd.f32 v56, v62;
	v56 =	vmul.f32 v43, v13  }
0x13e: {  	v6 =	vadd.f32 v26, v6;
	v52 =	vperm.xlane v8, v10;
	v39 =	vmul.f32 v5, v39  }
0x13f: {  	v40 =	vmul.f32 v5, v40;
	v41 =	vmul.f32 v5, v41;
	v38 =	vadd.f32 v56, v23  }
0x140: {  	v4 =	vmul.f32 v5, v4;
	v6 =	vadd.f32 v6, v48;
	[tilespmem:v20+s1+$0x110 ss:$0x1] =	vst.idx.msk $0xffff, v42  }
0x141: {  	v43 =	vmul.f32 v5, v55;
	v47 =	vperm.xlane v7, v10;
	[tilespmem:v20+s1+$0x120 ss:$0x1] =	vst.idx.msk $0xffff, v38  }
0x142: {  	v5 =	vperm.xlane v2, v10;
	v62 =	vperm.xlane v6, v10;
	v10 =	vld [tilespmem:$0x1FF70];
	_ =	sdelay $0x2  }
0x143: {  	v39 =	vmul.f32 v39, v14;
	_ =	sdelay $0x1  }
0x144: {  	v39 =	vadd.f32 v39, v10;
	v10 =	vld [tilespmem:$0x1FF80];
	_ =	sdelay $0x1  }
0x145: {  	v7 =	vadd.f32 v7, v47  }
0x146: {  	v40 =	vmul.f32 v40, v15;
	v5 =	vadd.f32 v5, v2  }
0x147: {  	v8 =	vadd.f32 v8, v52;
	v35 =	vperm.xlane v7, v60  }
0x148: {  	v6 =	vadd.f32 v62, v6;
	v46 =	vperm.xlane v5, v60;
	v40 =	vadd.f32 v40, v10  }
0x149: {  	v45 =	vperm.xlane v8, v60;
	v7 =	vadd.f32 v7, v35;
	[tilespmem:v20+s1+$0x130 ss:$0x1] =	vst.idx.msk $0xffff, v39  }
0x14a: {  	v47 =	vperm.xlane v6, v60;
	v5 =	vadd.f32 v46, v5;
	[tilespmem:v20+s1+$0x140 ss:$0x1] =	vst.idx.msk $0xffff, v40  }
0x14b: {  	v49 =	vmul.f32 v49, v19;
	v8 =	vadd.f32 v8, v45;
	v50 =	vld [tilespmem:$0x1FE50]  }
0x14c: {  	v48 =	vperm.xlane v7, v22;
	v6 =	vadd.f32 v47, v6;
	v56 =	vperm.xlane v5, v22;
	v55 =	vld [tilespmem:$0x1FE60]  }
0x14d: {  	v51 =	vmul.f32 v51, v12;
	v52 =	vperm.xlane v8, v22  }
0x14e: {  	v7 =	vadd.f32 v7, v48;
	v35 =	vperm.xlane v6, v22;
	v5 =	vadd.f32 v56, v5;
	v60 =	vld [tilespmem:$0x1FE70]  }
0x14f: {  	v53 =	vmul.f32 v53, v13;
	v41 =	vmul.f32 v41, v19;
	v8 =	vadd.f32 v8, v52;
	v47 =	vld [tilespmem:$0x1FE80]  }
0x150: {  	v48 =	vperm.xlane v7, v36;
	v6 =	vadd.f32 v35, v6;
	v52 =	vperm.xlane v5, v36;
	v56 =	vld [tilespmem:$0x1FE90]  }
0x151: {  	v35 =	vld [tilespmem:$0x1FEB0];
	v42 =	vmul.f32 v50, v11;
	v62 =	vmul.f32 v55, v12  }
0x152: {  	v7 =	vadd.f32 v7, v48;
	v50 =	vperm.xlane v8, v36;
	v55 =	vperm.xlane v6, v36;
	v36 =	vld [tilespmem:$0x1FF90]  }
0x153: {  	v4 =	vmul.f32 v4, v18;
	v43 =	vmul.f32 v43, v16;
	v39 =	vld [tilespmem:$0x1FFA0]  }
0x154: {  	v7 =	vmul.f32 $7.812500000e-03, v7;
	v38 =	vmul.f32 v60, v13;
	v60 =	vld [tilespmem:$0x1FEA0]  }
0x155: {  	v5 =	vadd.f32 v52, v5;
	v52 =	vmul.f32 v9, v16;
	v40 =	vmul.f32 v47, v14  }
0x156: {  	v4 =	vadd.f32 v4, v21;
	v47 =	vmul.f32 v56, v15;
	v48 =	vmul.f32 v35, v18  }
0x157: {  	v56 =	vmul.f32 v1, v15;
	v46 =	vadd.f32 v55, v6;
	v6 =	vadd.f32 v43, v36  }
0x158: {  	v8 =	vadd.f32 v8, v50;
	v50 =	vmul.f32 v30, v11;
	v43 =	vadd.f32 v41, v39  }
0x159: {  	s16 =	smul.u32 $0x1A000, s30;
	v55 =	vmul.f32 v0, v14;
	v45 =	vmul.f32 v60, v16;
	[tilespmem:v20+s1+$0x150 ss:$0x1] =	vst.idx.msk $0xffff, v6  }
0x15a: {  	v60 =	vadd.f32 v42, v17;
	v39 =	vsub.f32 v3, v7;
	v6 =	vmul.f32 $7.812500000e-03, v8;
	[tilespmem:v20+s1+$0x160 ss:$0x1] =	vst.idx.msk $0xffff, v43  }
0x15b: {  	s4 =	sshrl.u32 s16, $0x2;
	v41 =	vsub.f32 v44, v7;
	v8 =	vmul.f32 $7.812500000e-03, v46;
	[tilespmem:v20+s1+$0x170 ss:$0x1] =	vst.idx.msk $0xffff, v4;
	v4 =	vmul.f32 $7.812500000e-03, v5  }
0x15c: {  	s7 =	sor.u32 $0x300, s4;
	s4 =	simm.s32 $0x3;
	s5 =	simm.s32 $0xC00;
	[tilespmem:v20+s31+$0x0 ss:$0x1] =	vst.idx.msk $0xffff, v60;
	v5 =	vmul.f32 v7, v7;
	v43 =	vmul.f32 v6, v6  }
.LBB2_3:
0x15d: {  	v0 =	vld [tilespmem:$0x1FF20]  }
0x15e: {  	v15 =	vld [tilespmem:$0x1FF30]  }
0x15f: {  	v1 =	vld [tilespmem:$0x1FF60]  }
0x160: {  	v3 =	vld [tilespmem:$0x1FF70]  }
0x161: {  	s14 =	sshra.s32 s5, $0x2;
	v2 =	vld [tilespmem:$0x1FF80]  }
0x162: {  	v46 =	vld [tilespmem:s14+$0x13C00]  }
0x163: {  	v42 =	vsub.f32 v57, v7;
	v57 =	vld [tilespmem:s14+$0x13C10]  }
0x164: {  	v60 =	vld [tilespmem:s14+$0x13C40]  }
0x165: {  	v23 =	vsub.f32 v59, v7;
	v21 =	vsub.f32 v63, v7;
	v63 =	vld [tilespmem:s14+$0x13C50]  }
0x166: {  	v22 =	vsub.f32 v61, v7;
	v27 =	vsub.f32 v27, v6;
	v9 =	vld [tilespmem:s14+$0x13C60]  }
0x167: {  	v44 =	vsub.f32 v4, v5;
	v8 =	vsub.f32 v8, v43;
	v10 =	vld.idx.msk [tilespmem:v20+s14+$0x100 ss:$0x1], $0xffff  }
0x168: {  	v5 =	vsub.f32 v29, v7;
	v43 =	vsub.f32 v25, v7;
	v11 =	vld.idx.msk [tilespmem:v20+s14+$0x110 ss:$0x1], $0xffff  }
0x169: {  	v12 =	vld.idx.msk [tilespmem:v20+s14+$0x130 ss:$0x1], $0xffff;
	v35 =	vadd.f32 $9.999999960e-13, v44;
	v8 =	vadd.f32 $9.999999960e-13, v8  }
0x16a: {  	v29 =	vsub.f32 v28, v6;
	v4 =	vsub.f32 v33, v6;
	v13 =	vld.idx.msk [tilespmem:v20+s14+$0x150 ss:$0x1], $0xffff  }
0x16b: {  	v28 =	vld [tilespmem:$0x1FFB0];
	v36 =	vshra.s32 v35, $0x1;
	v59 =	vmul.f32 $5.000000000e-01, v35;
	v26 =	vshra.s32 v8, $0x1  }
0x16c: {  	v18 =	vld.idx.msk [tilespmem:v20+s14+$0x170 ss:$0x1], $0xffff;
	v8 =	vmul.f32 $5.000000000e-01, v8;
	v16 =	vsub.s32 $0x5F3759DF, v36;
	v36 =	vsub.f32 v32, v6  }
0x16d: {  	v19 =	vld [tilespmem:s14+$0x13C70];
	v0 =	vmul.f32 v54, v0;
	v7 =	vsub.s32 $0x5F3759DF, v26;
	v35 =	vmul.f32 v16, v59  }
0x16e: {  	v54 =	vsub.f32 v24, v6;
	v61 =	vadd.f32 v38, v1;
	v25 =	vmul.f32 v7, v8;
	[tilespmem:$0x1FC50] =	vst v36;
	v36 =	vld [tilespmem:$0x1FF50]  }
0x16f: {  	v24 =	vld [tilespmem:$0x1FFA0];
	v26 =	vsub.f32 v37, v6;
	v37 =	vsub.f32 v34, v6;
	v35 =	vmul.f32 v16, v35  }
0x170: {  	v44 =	vld [tilespmem:s14+$0x13C20];
	v32 =	vadd.f32 v48, v28;
	v48 =	vadd.f32 v57, v11;
	v30 =	vmul.f32 v7, v25  }
0x171: {  	v25 =	vsub.f32 v31, v6;
	v31 =	vld.idx.msk [tilespmem:v20+s14+$0x120 ss:$0x1], $0xffff;
	v17 =	vsub.f32 $1.500000000e+00, v35  }
0x172: {  	[tilespmem:$0x1FC20] =	vst v0;
	v0 =	vmul.f32 v58, v15;
	v15 =	vadd.f32 v47, v2;
	v6 =	vld.idx.msk [tilespmem:v20+s14+$0x140 ss:$0x1], $0xffff;
	v30 =	vsub.f32 $1.500000000e+00, v30  }
0x173: {  	v58 =	vld [tilespmem:s14+$0x13C30];
	v2 =	vadd.f32 v56, v2;
	v33 =	vmul.f32 v16, v17;
	v34 =	vadd.f32 v62, v36  }
0x174: {  	v35 =	vld [tilespmem:$0x1FF40];
	v14 =	vmul.f32 v7, v30;
	v7 =	vadd.f32 v40, v3;
	v17 =	vadd.f32 v49, v24  }
0x175: {  	[tilespmem:$0x1FC70] =	vst v2;
	v2 =	vld.idx.msk [tilespmem:v20+s14+$0x10 ss:$0x1], $0xffff;
	v62 =	vadd.f32 v51, v36;
	v40 =	vadd.f32 v53, v1  }
0x176: {  	v30 =	vld [tilespmem:$0x1FF90];
	v3 =	vadd.f32 v55, v3;
	v49 =	vadd.f32 v44, v31  }
0x177: {  	v16 =	vld.idx.msk [tilespmem:v20+s14+$0x160 ss:$0x1], $0xffff;
	v51 =	vadd.f32 v60, v6;
	v44 =	vadd.f32 v19, v18;
	v18 =	vmul.f32 v48, v48  }
0x178: {  	v1 =	vld.idx.msk [tilespmem:v20+s14+$0x0 ss:$0x1], $0xffff;
	v47 =	vmul.f32 v33, v59;
	v8 =	vmul.f32 v14, v8;
	[tilespmem:v20+s31+$0x10 ss:$0x1] =	vst.idx.msk $0xffff, v34  }
0x179: {  	v38 =	vadd.f32 v50, v35;
	v19 =	vmul.f32 v49, v49;
	v36 =	vmul.f32 v51, v51  }
0x17a: {  	[tilespmem:$0x1FC30] =	vst v0;
	v50 =	vadd.f32 v58, v12;
	v0 =	vmul.f32 v47, v33;
	v8 =	vmul.f32 v8, v14  }
0x17b: {  	v47 =	vadd.f32 v46, v10;
	v10 =	vld.idx.msk [tilespmem:v20+s14+$0x20 ss:$0x1], $0xffff;
	[tilespmem:v20+s31+$0x20 ss:$0x1] =	vst.idx.msk $0xffff, v61;
	v59 =	vadd.f32 v45, v30  }
0x17c: {  	v11 =	vld.idx.msk [tilespmem:v20+s14+$0x30 ss:$0x1], $0xffff;
	v45 =	vadd.f32 v63, v13;
	[tilespmem:v20+s31+$0x30 ss:$0x1] =	vst.idx.msk $0xffff, v7;
	v46 =	vadd.f32 v9, v16  }
0x17d: {  	v7 =	vadd.f32 v50, v49;
	v63 =	vmul.f32 v50, v50;
	v12 =	vld.idx.msk [tilespmem:v20+s14+$0x40 ss:$0x1], $0xffff;
	v0 =	vsub.f32 $1.500000000e+00, v0  }
0x17e: {  	[tilespmem:v20+s31+$0x40 ss:$0x1] =	vst.idx.msk $0xffff, v15;
	v6 =	vadd.f32 v48, v47;
	v13 =	vmul.f32 v47, v47;
	v8 =	vsub.f32 $1.500000000e+00, v8  }
0x17f: {  	[tilespmem:$0x1FC60] =	vst v37;
	v16 =	vadd.f32 v45, v51;
	v61 =	vadd.f32 v44, v46;
	v0 =	vmul.f32 v0, v33  }
0x180: {  	v57 =	vld [tilespmem:$0x1FFF0];
	[tilespmem:$0x1FC40] =	vst v3;
	v37 =	vmul.f32 v45, v45;
	v60 =	vmul.f32 v46, v46;
	v6 =	vadd.f32 v7, v6  }
0x181: {  	v3 =	vld.idx.msk [tilespmem:v20+s14+$0x80 ss:$0x1], $0xffff;
	v7 =	vadd.f32 v61, v16;
	v61 =	vmul.f32 v44, v44;
	v5 =	vmul.f32 v0, v5  }
0x182: {  	v9 =	vld.idx.msk [tilespmem:v20+s14+$0x50 ss:$0x1], $0xffff;
	v13 =	vadd.f32 v18, v13;
	v18 =	vadd.f32 v63, v19  }
0x183: {  	v63 =	vadd.f32 v37, v36;
	v16 =	vadd.f32 v61, v60;
	[tilespmem:$0x1FC90] =	vst v5;
	v5 =	vld [tilespmem:$0x1FC20]  }
0x184: {  	v15 =	vld.idx.msk [tilespmem:v20+s14+$0x60 ss:$0x1], $0xffff;
	v8 =	vmul.f32 v8, v14;
	v60 =	vadd.f32 v7, v6  }
0x185: {  	v31 =	vld.idx.msk [tilespmem:v20+s14+$0x70 ss:$0x1], $0xffff;
	v13 =	vadd.f32 v18, v13;
	v16 =	vadd.f32 v16, v63;
	v63 =	vmul.f32 v0, v22  }
0x186: {  	v56 =	vadd.f32 v52, v30;
	[tilespmem:v20+s31+$0x50 ss:$0x1] =	vst.idx.msk $0xffff, v59;
	v36 =	vld [tilespmem:$0x1FFC0];
	v61 =	vperm.xlane v60, v57  }
0x187: {  	v52 =	vmul.f32 v0, v23;
	v22 =	vld [tilespmem:s14+$0x13B10];
	v33 =	vadd.f32 v16, v13;
	[tilespmem:$0x1FC80] =	vst v63;
	v63 =	vmul.f32 v8, v27  }
0x188: {  	v6 =	vmul.f32 v0, v39;
	v23 =	vadd.f32 v60, v61;
	v61 =	vld [tilespmem:$0x1FC30];
	v5 =	vadd.f32 v5, v24  }
0x189: {  	v7 =	vmul.f32 v0, v41;
	v16 =	vperm.xlane v33, v57;
	v24 =	vld [tilespmem:s14+$0x13B20];
	[tilespmem:$0x1FCD0] =	vst v63  }
0x18a: {  	v41 =	vmul.f32 v0, v42;
	v63 =	vld [tilespmem:$0x1FFE0];
	[tilespmem:$0x1FD20] =	vst v5;
	v5 =	vmul.f32 v0, v21  }
0x18b: {  	v59 =	vld [tilespmem:s14+$0x13B00];
	v0 =	vmul.f32 v0, v43;
	v21 =	vperm.xlane v23, v36;
	v33 =	vadd.f32 v16, v33  }
0x18c: {  	v55 =	vmov v28;
	v37 =	vmul.f32 v8, v25;
	v60 =	vmul.f32 v8, v54;
	v27 =	vld [tilespmem:s14+$0x13B40]  }
0x18d: {  	v54 =	vld [tilespmem:s14+$0x13B30];
	[tilespmem:$0x1FCB0] =	vst v0;
	v0 =	vadd.f32 v61, v28;
	v28 =	vadd.f32 v23, v21;
	v23 =	vperm.xlane v33, v36  }
0x18e: {  	v13 =	vmul.f32 v8, v26;
	[tilespmem:v20+s31+$0x60 ss:$0x1] =	vst.idx.msk $0xffff, v17;
	v43 =	vadd.f32 v22, v2;
	v22 =	vld [tilespmem:$0x1FFD0]  }
0x18f: {  	v34 =	vld.idx.msk [tilespmem:v20+s14+$0xA0 ss:$0x1], $0xffff;
	v26 =	vadd.f32 v24, v10;
	v24 =	vperm.xlane v28, v63;
	v25 =	vadd.f32 v23, v33  }
0x190: {  	v42 =	vadd.f32 v59, v1;
	v59 =	vmul.f32 v8, v4;
	v2 =	vld [tilespmem:s14+$0x13B60]  }
0x191: {  	v58 =	vld.idx.msk [tilespmem:v20+s14+$0x90 ss:$0x1], $0xffff;
	v4 =	vadd.f32 v27, v12;
	v28 =	vadd.f32 v28, v24;
	v27 =	vperm.xlane v25, v63  }
0x192: {  	v19 =	vld.idx.msk [tilespmem:v20+s14+$0xB0 ss:$0x1], $0xffff;
	[tilespmem:$0x1FD00] =	vst v37  }
0x193: {  	v14 =	vld.idx.msk [tilespmem:v20+s14+$0xF0 ss:$0x1], $0xffff;
	[tilespmem:$0x1FD10] =	vst v59;
	v37 =	vperm.xlane v28, v22;
	v59 =	vadd.f32 v27, v25  }
0x194: {  	v18 =	vld.idx.msk [tilespmem:v20+s14+$0xE0 ss:$0x1], $0xffff  }
0x195: {  	v39 =	vld.idx.msk [tilespmem:v20+s14+$0xD0 ss:$0x1], $0xffff;
	v30 =	vadd.f32 v2, v15;
	v15 =	vadd.f32 v28, v37;
	v21 =	vperm.xlane v59, v22  }
0x196: {  	[tilespmem:$0x1FCC0] =	vst v60;
	v60 =	vld [tilespmem:s14+$0x13B90]  }
0x197: {  	v17 =	vld [tilespmem:s14+$0x13B50];
	[tilespmem:$0x1FD30] =	vst v0;
	v15 =	vmul.f32 $7.812500000e-03, v15;
	v0 =	vadd.f32 v21, v59  }
0x198: {  	v16 =	vmul.f32 v8, v29;
	v29 =	vld [tilespmem:s14+$0x13B80]  }
0x199: {  	[tilespmem:$0x1FCE0] =	vst v13;
	v10 =	vld [tilespmem:s14+$0x13B70];
	v0 =	vmul.f32 $7.812500000e-03, v0;
	v13 =	vmul.f32 v15, v15  }
0x19a: {  	v61 =	vld [tilespmem:s14+$0x13BA0]  }
0x19b: {  	v27 =	vadd.f32 v60, v58;
	v60 =	vld [tilespmem:s14+$0x13BE0];
	v0 =	vsub.f32 v0, v13  }
0x19c: {  	v2 =	vld [tilespmem:s14+$0x13BB0]  }
0x19d: {  	v24 =	vadd.f32 v29, v3;
	v3 =	vld [tilespmem:s14+$0x13BD0];
	v0 =	vadd.f32 $9.999999960e-13, v0  }
0x19e: {  	v25 =	vadd.f32 v10, v31;
	v31 =	vld [tilespmem:s14+$0x13BC0]  }
0x19f: {  	v37 =	vadd.f32 v61, v34;
	v61 =	vld [tilespmem:s14+$0x13BF0];
	[tilespmem:v20+s31+$0x80 ss:$0x1] =	vst.idx.msk $0xffff, v38;
	v38 =	vshra.s32 v0, $0x1  }
0x1a0: {  	[tilespmem:v20+s31+$0x70 ss:$0x1] =	vst.idx.msk $0xffff, v32;
	v32 =	vadd.f32 v60, v18;
	v60 =	vsub.s32 $0x5F3759DF, v38;
	v38 =	vld [tilespmem:$0x1FC40]  }
0x1a1: {  	v53 =	vld.idx.msk [tilespmem:v20+s14+$0xC0 ss:$0x1], $0xffff;
	[tilespmem:$0x1FCA0] =	vst v5;
	v5 =	vadd.f32 v54, v11;
	v23 =	vadd.f32 v17, v9  }
0x1a2: {  	[tilespmem:$0x1FCF0] =	vst v16;
	v11 =	vadd.f32 v43, v42;
	v54 =	vmul.f32 v42, v42;
	v17 =	vmul.f32 v43, v43  }
0x1a3: {  	v9 =	vadd.f32 v5, v26;
	v10 =	vadd.f32 v23, v4;
	[tilespmem:v20+s31+$0x90 ss:$0x1] =	vst.idx.msk $0xffff, v62;
	v0 =	vmul.f32 $5.000000000e-01, v0  }
0x1a4: {  	v58 =	vmul.f32 v23, v23;
	v16 =	vadd.f32 v25, v30;
	[tilespmem:v20+s31+$0xA0 ss:$0x1] =	vst.idx.msk $0xffff, v40  }
0x1a5: {  	v21 =	vmul.f32 v4, v4;
	[tilespmem:v20+s31+$0xB0 ss:$0x1] =	vst.idx.msk $0xffff, v38;
	v38 =	vmul.f32 v60, v0  }
0x1a6: {  	v10 =	vadd.f32 v16, v10;
	v16 =	vadd.f32 v17, v54;
	v54 =	vld [tilespmem:$0x1FC50]  }
0x1a7: {  	v33 =	vadd.f32 v3, v39;
	v17 =	vadd.f32 v58, v21;
	v21 =	vmul.f32 v60, v38;
	v38 =	vld [tilespmem:$0x1FC60]  }
0x1a8: {  	v31 =	vadd.f32 v31, v53;
	v34 =	vadd.f32 v61, v14  }
0x1a9: {  	v1 =	vmul.f32 v26, v26;
	v9 =	vadd.f32 v9, v11  }
0x1aa: {  	v29 =	vmul.f32 v5, v5;
	v39 =	vadd.f32 v33, v31;
	v62 =	vadd.f32 v34, v32  }
0x1ab: {  	v28 =	vadd.f32 v2, v19;
	v19 =	vmul.f32 v30, v30;
	v54 =	vmul.f32 v8, v54  }
0x1ac: {  	v58 =	vmul.f32 v8, v38;
	v8 =	vadd.f32 v62, v39;
	v39 =	vsub.f32 $1.500000000e+00, v21  }
0x1ad: {  	v1 =	vadd.f32 v29, v1;
	v12 =	vmul.f32 v27, v27;
	v3 =	vmul.f32 v24, v24  }
0x1ae: {  	v2 =	vadd.f32 v27, v24;
	v53 =	vmul.f32 v25, v25;
	v60 =	vmul.f32 v60, v39  }
0x1af: {  	v18 =	vmul.f32 v37, v37;
	v3 =	vadd.f32 v12, v3;
	v9 =	vadd.f32 v10, v9  }
0x1b0: {  	v14 =	vadd.f32 v28, v37;
	v13 =	vmul.f32 v28, v28;
	v0 =	vmul.f32 v60, v0  }
0x1b1: {  	v1 =	vadd.f32 v1, v16;
	v59 =	vmul.f32 v31, v31;
	v19 =	vadd.f32 v53, v19  }
0x1b2: {  	v2 =	vadd.f32 v14, v2;
	v53 =	vadd.f32 v13, v18;
	v18 =	vld [tilespmem:$0x1FED0];
	v0 =	vmul.f32 v0, v60  }
0x1b3: {  	v29 =	vld [tilespmem:$0x1FC70];
	v10 =	vsub.f32 v48, v15;
	v61 =	vmul.f32 v32, v32;
	v11 =	vmul.f32 v34, v34  }
0x1b4: {  	v2 =	vadd.f32 v8, v2;
	v8 =	vperm.xlane v9, v57;
	v0 =	vsub.f32 $1.500000000e+00, v0  }
0x1b5: {  	v40 =	vmul.f32 v33, v33;
	v49 =	vsub.f32 v49, v15;
	v11 =	vadd.f32 v11, v61;
	v21 =	vld [tilespmem:$0x1FEC0]  }
0x1b6: {  	v8 =	vadd.f32 v9, v8;
	v9 =	vsub.f32 v47, v15;
	v0 =	vmul.f32 v0, v60  }
0x1b7: {  	v62 =	vmul.f32 v7, v18;
	v7 =	vadd.f32 v40, v59;
	v59 =	vmovc v5;
	v5 =	vadd.f32 v19, v17;
	v19 =	vld [tilespmem:$0x1FEF0]  }
0x1b8: {  	v3 =	vadd.f32 v53, v3;
	[tilespmem:v20+s31+$0xC0 ss:$0x1] =	vst.idx.msk $0xffff, v29;
	v29 =	vmov v23;
	v23 =	vld [tilespmem:$0x1FF50];
	v9 =	vmul.f32 v0, v9  }
0x1b9: {  	v53 =	vsub.f32 v51, v15;
	v39 =	vld [tilespmem:$0x1FEE0];
	v7 =	vadd.f32 v11, v7;
	v10 =	vmul.f32 v0, v10  }
0x1ba: {  	[tilespmem:v20+s31+$0xD0 ss:$0x1] =	vst.idx.msk $0xffff, v56;
	v1 =	vadd.f32 v5, v1;
	v9 =	vmul.f32 v9, v21  }
0x1bb: {  	v56 =	vsub.f32 v45, v15;
	v3 =	vadd.f32 v7, v3;
	v10 =	vmul.f32 v10, v18  }
0x1bc: {  	v61 =	vmovc v4;
	v4 =	vperm.xlane v1, v57;
	v40 =	vmul.f32 v52, v19;
	v9 =	vadd.f32 v9, v35  }
0x1bd: {  	v52 =	vsub.f32 v50, v15;
	v7 =	vperm.xlane v3, v57;
	v10 =	vadd.f32 v10, v23  }
0x1be: {  	v1 =	vadd.f32 v4, v1;
	v38 =	vmul.f32 v41, v39;
	[tilespmem:v20+s14+$0x100 ss:$0x1] =	vst.idx.msk $0xffff, v9;
	v9 =	vld [tilespmem:$0x1FF60]  }
0x1bf: {  	v3 =	vadd.f32 v7, v3;
	v12 =	vmul.f32 v0, v49;
	[tilespmem:v20+s14+$0x110 ss:$0x1] =	vst.idx.msk $0xffff, v10;
	v10 =	vld [tilespmem:$0x1FF70]  }
0x1c0: {  	v7 =	vperm.xlane v1, v36;
	v60 =	vsub.f32 v46, v15;
	v13 =	vmul.f32 v0, v52  }
0x1c1: {  	v41 =	vld [tilespmem:$0x1FF10];
	v15 =	vsub.f32 v44, v15;
	v14 =	vmul.f32 v0, v53;
	v12 =	vmul.f32 v12, v39  }
0x1c2: {  	v1 =	vadd.f32 v7, v1;
	v7 =	vld [tilespmem:$0x1FC80];
	v16 =	vmul.f32 v0, v56;
	v13 =	vmul.f32 v13, v19  }
0x1c3: {  	v17 =	vmul.f32 v0, v60;
	v0 =	vmul.f32 v0, v15;
	v15 =	vld [tilespmem:$0x1FF00];
	v9 =	vadd.f32 v12, v9  }
0x1c4: {  	v5 =	vperm.xlane v2, v57;
	v52 =	vld [tilespmem:$0x1FF20];
	v10 =	vadd.f32 v13, v10  }
0x1c5: {  	[tilespmem:v20+s14+$0x120 ss:$0x1] =	vst.idx.msk $0xffff, v9;
	v9 =	vld [tilespmem:$0x1FF80]  }
0x1c6: {  	v6 =	vmul.f32 v6, v21;
	v2 =	vadd.f32 v2, v5;
	[tilespmem:v20+s14+$0x130 ss:$0x1] =	vst.idx.msk $0xffff, v10;
	v10 =	vld [tilespmem:$0x1FF90]  }
0x1c7: {  	v4 =	vld [tilespmem:$0x1FFA0]  }
0x1c8: {  	v6 =	vadd.f32 v6, v35;
	v11 =	vperm.xlane v2, v36;
	v56 =	vld [tilespmem:$0x1FF30];
	v35 =	vmul.f32 v14, v15  }
0x1c9: {  	v51 =	vmul.f32 v16, v41  }
0x1ca: {  	v2 =	vadd.f32 v2, v11;
	v53 =	vmul.f32 v17, v52;
	v9 =	vadd.f32 v35, v9  }
0x1cb: {  	v5 =	vperm.xlane v8, v36;
	v47 =	vmul.f32 v7, v15;
	v10 =	vadd.f32 v51, v10  }
0x1cc: {  	v7 =	vperm.xlane v2, v63;
	v4 =	vadd.f32 v53, v4;
	[tilespmem:v20+s14+$0x140 ss:$0x1] =	vst.idx.msk $0xffff, v9  }
0x1cd: {  	v5 =	vadd.f32 v8, v5;
	v0 =	vmul.f32 v0, v56;
	[tilespmem:v20+s14+$0x150 ss:$0x1] =	vst.idx.msk $0xffff, v10  }
0x1ce: {  	v2 =	vadd.f32 v2, v7;
	v7 =	vld [tilespmem:$0x1FCB0];
	[tilespmem:v20+s14+$0x160 ss:$0x1] =	vst.idx.msk $0xffff, v4;
	v4 =	vperm.xlane v3, v36  }
0x1cf: {  	v0 =	vadd.f32 v0, v55;
	v12 =	vperm.xlane v5, v63  }
0x1d0: {  	v3 =	vadd.f32 v4, v3;
	v4 =	vld [tilespmem:$0x1FC90]  }
0x1d1: {  	[tilespmem:v20+s14+$0x170 ss:$0x1] =	vst.idx.msk $0xffff, v0;
	v0 =	vadd.f32 v5, v12;
	v5 =	vld [tilespmem:$0x1FCA0];
	_ =	sdelay $0x1  }
0x1d2: {  	v48 =	vmul.f32 v7, v56;
	v7 =	vperm.xlane v0, v22;
	_ =	sdelay $0x1  }
0x1d3: {  	v0 =	vadd.f32 v0, v7;
	v7 =	vld [tilespmem:$0x1FCE0];
	v45 =	vmul.f32 v4, v41;
	v4 =	vperm.xlane v1, v63  }
0x1d4: {  	v44 =	vld [tilespmem:$0x1FD10];
	v49 =	vmul.f32 v5, v52;
	v5 =	vperm.xlane v3, v63  }
0x1d5: {  	v1 =	vadd.f32 v4, v1;
	v4 =	vld [tilespmem:$0x1FCC0]  }
0x1d6: {  	v3 =	vadd.f32 v5, v3;
	v5 =	vld [tilespmem:$0x1FCD0]  }
0x1d7: {  	v17 =	vld [tilespmem:$0x1FD00]  }
0x1d8: {  	v53 =	vmul.f32 v7, v39;
	v7 =	vld [tilespmem:$0x1FCF0]  }
0x1d9: {  	v46 =	vld [tilespmem:$0x1FD20]  }
0x1da: {  	s4 =	sadd.s32 $0x3, s4;
	v60 =	vld [tilespmem:$0x1FD30];
	v50 =	vmul.f32 v4, v21;
	v4 =	vperm.xlane v2, v22  }
0x1db: {  	p0 =	slt.u32 s4, $0xC6;
	v51 =	vmul.f32 v5, v18;
	v5 =	vperm.xlane v1, v22  }
.Ltmp0:
0x1dc: {  	v56 =	vmul.f32 v17, v15;
	v2 =	vadd.f32 v2, v4;
	v4 =	vperm.xlane v3, v22;
	(pc) =	sbr.rel @p0 .LBB2_3-.Ltmp0, $4  }
0x1dd: {  	[tilespmem:v20+s1+$0x0 ss:$0x1] =	vst.idx.msk $0xffff, v6;
	v55 =	vmul.f32 v7, v19;
	v7 =	vmul.f32 $7.812500000e-03, v0;
	v16 =	vadd.f32 v5, v1  }
0x1de: {  	[tilespmem:v20+s31+$0xE0 ss:$0x1] =	vst.idx.msk $0xffff, v46;
	v52 =	vmul.f32 v44, v41;
	v6 =	vmul.f32 $7.812500000e-03, v2;
	v35 =	vadd.f32 v4, v3  }
0x1df: {  	[tilespmem:v20+s31+$0xF0 ss:$0x1] =	vst.idx.msk $0xffff, v60;
	v5 =	vmul.f32 v7, v7;
	v39 =	vsub.f32 v42, v7;
	v4 =	vmul.f32 $7.812500000e-03, v16  }
0x1e0: {  	s5 =	sadd.s32 $0x600, s5;
	v57 =	vmovc v26;
	s31 =	smov.u32 s1;
	s1 =	smov.u32 s14;
	v63 =	vmovc v30;
	v41 =	vsub.f32 v43, v7;
	v8 =	vmul.f32 $7.812500000e-03, v35;
	v43 =	vmul.f32 v6, v6  }
0x1e1: {  	v0 =	vsub.f32 v4, v5;
	_ =	sdelay $0x1  }
0x1e2: {  	v0 =	vadd.f32 $9.999999960e-13, v0  }
0x1e3: {  	v1 =	vsub.f32 v8, v43  }
0x1e4: {  	v30 =	vld [tilespmem:$0x1FF20];
	v2 =	vshra.s32 v0, $0x1;
	v0 =	vmul.f32 $5.000000000e-01, v0  }
0x1e5: {  	v18 =	vsub.f32 v33, v6;
	v33 =	vld [tilespmem:$0x1FF50];
	v1 =	vadd.f32 $9.999999960e-13, v1;
	v2 =	vsub.s32 $0x5F3759DF, v2  }
0x1e6: {  	v60 =	vsub.f32 v34, v6;
	v34 =	vld [tilespmem:$0x1FF60];
	v46 =	vmul.f32 v2, v0  }
0x1e7: {  	v35 =	vld [tilespmem:$0x1FF70];
	v9 =	vshra.s32 v1, $0x1;
	v1 =	vmul.f32 $5.000000000e-01, v1  }
0x1e8: {  	v43 =	vld [tilespmem:$0x1FF40];
	v9 =	vsub.s32 $0x5F3759DF, v9;
	v5 =	vmul.f32 v2, v46  }
0x1e9: {  	v11 =	vsub.f32 v63, v7;
	v15 =	vsub.f32 v37, v6;
	v37 =	vld [tilespmem:$0x1FF90];
	v12 =	vmul.f32 v9, v1  }
0x1ea: {  	v17 =	vsub.f32 v31, v6;
	v36 =	vld [tilespmem:$0x1FF80];
	v5 =	vsub.f32 $1.500000000e+00, v5  }
0x1eb: {  	v31 =	vld [tilespmem:$0x1FF30];
	v8 =	vsub.f32 v61, v7;
	v21 =	vadd.f32 v62, v33;
	v12 =	vmul.f32 v9, v12  }
0x1ec: {  	v22 =	vadd.f32 v38, v34;
	v61 =	vadd.f32 v40, v35;
	v38 =	vld [tilespmem:$0x1FFA0];
	v2 =	vmul.f32 v2, v5  }
0x1ed: {  	v40 =	vld [tilespmem:$0x1FFB0];
	v44 =	vadd.f32 v50, v43;
	[tilespmem:v20+s31+$0x10 ss:$0x1] =	vst.idx.msk $0xffff, v21;
	v12 =	vsub.f32 $1.500000000e+00, v12  }
0x1ee: {  	v63 =	vadd.f32 v45, v37;
	[tilespmem:v20+s31+$0x20 ss:$0x1] =	vst.idx.msk $0xffff, v22;
	v0 =	vmul.f32 v2, v0  }
0x1ef: {  	v45 =	vadd.f32 v51, v33;
	[tilespmem:v20+s31+$0x80 ss:$0x1] =	vst.idx.msk $0xffff, v44;
	v9 =	vmul.f32 v9, v12  }
0x1f0: {  	v23 =	vadd.f32 v47, v36;
	[tilespmem:v20+s31+$0x30 ss:$0x1] =	vst.idx.msk $0xffff, v61;
	v0 =	vmul.f32 v0, v2  }
0x1f1: {  	[tilespmem:v20+s31+$0x90 ss:$0x1] =	vst.idx.msk $0xffff, v45;
	v1 =	vmul.f32 v9, v1  }
0x1f2: {  	v26 =	vadd.f32 v49, v38;
	[tilespmem:v20+s31+$0x40 ss:$0x1] =	vst.idx.msk $0xffff, v23;
	v0 =	vsub.f32 $1.500000000e+00, v0  }
0x1f3: {  	v42 =	vadd.f32 v48, v40;
	[tilespmem:v20+s31+$0x50 ss:$0x1] =	vst.idx.msk $0xffff, v63;
	v1 =	vmul.f32 v1, v9  }
0x1f4: {  	[tilespmem:v20+s31+$0x60 ss:$0x1] =	vst.idx.msk $0xffff, v26;
	v0 =	vmul.f32 v0, v2;
	v2 =	vadd.f32 v53, v34  }
0x1f5: {  	[tilespmem:v20+s31+$0x70 ss:$0x1] =	vst.idx.msk $0xffff, v42;
	v1 =	vsub.f32 $1.500000000e+00, v1  }
0x1f6: {  	[tilespmem:v20+s31+$0xA0 ss:$0x1] =	vst.idx.msk $0xffff, v2  }
0x1f7: {  	v1 =	vmul.f32 v1, v9;
	v9 =	vadd.f32 v52, v37;
	v52 =	vld [tilespmem:$0x1FEC0];
	_ =	sdelay $0x2  }
0x1f8: {  	v3 =	vsub.f32 v57, v7;
	v48 =	vmul.f32 v0, v39  }
0x1f9: {  	v4 =	vsub.f32 v59, v7;
	v46 =	vadd.f32 v55, v35  }
0x1fa: {  	v10 =	vsub.f32 v29, v7;
	v47 =	vadd.f32 v56, v36;
	v2 =	vmul.f32 v48, v52  }
0x1fb: {  	v57 =	vsub.f32 v25, v7;
	v59 =	vmul.f32 v54, v30;
	[tilespmem:v20+s31+$0xB0 ss:$0x1] =	vst.idx.msk $0xffff, v46  }
0x1fc: {  	v62 =	vmul.f32 v58, v31;
	[tilespmem:v20+s31+$0xC0 ss:$0x1] =	vst.idx.msk $0xffff, v47;
	v2 =	vadd.f32 v2, v43  }
0x1fd: {  	v5 =	vadd.f32 v59, v38;
	v49 =	vmul.f32 v0, v41;
	v21 =	vld [tilespmem:$0x1FED0];
	[tilespmem:v20+s31+$0xD0 ss:$0x1] =	vst.idx.msk $0xffff, v9  }
0x1fe: {  	v3 =	vmul.f32 v0, v3;
	v4 =	vmul.f32 v0, v4;
	v9 =	vld [tilespmem:$0x1FEE0];
	[tilespmem:v20+s1+$0x0 ss:$0x1] =	vst.idx.msk $0xffff, v2  }
0x1ff: {  	v8 =	vmul.f32 v0, v8;
	v10 =	vmul.f32 v0, v10;
	v55 =	vld [tilespmem:$0x1FEF0];
	[tilespmem:v20+s31+$0xE0 ss:$0x1] =	vst.idx.msk $0xffff, v5  }
0x200: {  	v11 =	vmul.f32 v0, v11;
	v0 =	vmul.f32 v0, v57;
	v57 =	vld [tilespmem:$0x1FF00];
	_ =	sdelay $0x1  }
0x201: {  	v13 =	vsub.f32 v24, v6;
	v51 =	vadd.f32 v62, v40  }
0x202: {  	v14 =	vsub.f32 v27, v6;
	v16 =	vsub.f32 v28, v6;
	v54 =	vmul.f32 v49, v21  }
0x203: {  	v19 =	vsub.f32 v32, v6;
	v3 =	vmul.f32 v3, v9;
	[tilespmem:v20+s31+$0xF0 ss:$0x1] =	vst.idx.msk $0xffff, v51  }
0x204: {  	v56 =	vadd.f32 v54, v33;
	v2 =	vmul.f32 v4, v55;
	v58 =	vmul.f32 v8, v57;
	v8 =	vld [tilespmem:$0x1FF10]  }
0x205: {  	v50 =	vmul.f32 v1, v13;
	v14 =	vmul.f32 v1, v14;
	v3 =	vadd.f32 v3, v34  }
0x206: {  	v15 =	vmul.f32 v1, v15;
	[tilespmem:v20+s1+$0x10 ss:$0x1] =	vst.idx.msk $0xffff, v56;
	v2 =	vadd.f32 v2, v35  }
0x207: {  	v16 =	vmul.f32 v1, v16;
	v17 =	vmul.f32 v1, v17;
	[tilespmem:v20+s1+$0x20 ss:$0x1] =	vst.idx.msk $0xffff, v3  }
0x208: {  	v18 =	vmul.f32 v1, v18;
	[tilespmem:v20+s1+$0x30 ss:$0x1] =	vst.idx.msk $0xffff, v2;
	v2 =	vmul.f32 v50, v52  }
0x209: {  	v53 =	vmul.f32 v1, v19;
	v5 =	vadd.f32 v58, v36;
	v59 =	vmul.f32 v10, v8  }
0x20a: {  	v1 =	vmul.f32 v1, v60;
	v60 =	vmul.f32 v11, v30;
	v2 =	vadd.f32 v2, v43  }
0x20b: {  	v0 =	vmul.f32 v0, v31;
	[tilespmem:v20+s1+$0x40 ss:$0x1] =	vst.idx.msk $0xffff, v5;
	v3 =	vadd.f32 v59, v37  }
0x20c: {  	v61 =	vmul.f32 v14, v21;
	v4 =	vadd.f32 v60, v38;
	[tilespmem:v20+s1+$0x80 ss:$0x1] =	vst.idx.msk $0xffff, v2  }
0x20d: {  	v0 =	vadd.f32 v0, v40;
	[tilespmem:v20+s1+$0x50 ss:$0x1] =	vst.idx.msk $0xffff, v3;
	v3 =	vmul.f32 v15, v9  }
0x20e: {  	v62 =	vmul.f32 v16, v55;
	v5 =	vadd.f32 v61, v33;
	[tilespmem:v20+s1+$0x60 ss:$0x1] =	vst.idx.msk $0xffff, v4  }
0x20f: {  	[tilespmem:v20+s1+$0x70 ss:$0x1] =	vst.idx.msk $0xffff, v0;
	v0 =	vmul.f32 v17, v57;
	v3 =	vadd.f32 v3, v34  }
0x210: {  	v2 =	vmul.f32 v18, v8;
	[tilespmem:v20+s1+$0x90 ss:$0x1] =	vst.idx.msk $0xffff, v5;
	v4 =	vadd.f32 v62, v35  }
0x211: {  	v63 =	vmul.f32 v53, v30;
	v0 =	vadd.f32 v0, v36;
	[tilespmem:v20+s1+$0xA0 ss:$0x1] =	vst.idx.msk $0xffff, v3  }
0x212: {  	v1 =	vmul.f32 v1, v31;
	v2 =	vadd.f32 v2, v37;
	[tilespmem:v20+s1+$0xB0 ss:$0x1] =	vst.idx.msk $0xffff, v4  }
0x213: {  	v3 =	vadd.f32 v63, v38;
	[tilespmem:v20+s1+$0xC0 ss:$0x1] =	vst.idx.msk $0xffff, v0  }
0x214: {  	v0 =	vadd.f32 v1, v40;
	[tilespmem:v20+s1+$0xD0 ss:$0x1] =	vst.idx.msk $0xffff, v2  }
0x215: {  	p0 =	sne.s32 s28, $0x20;
	[tilespmem:v20+s1+$0xE0 ss:$0x1] =	vst.idx.msk $0xffff, v3  }
.Ltmp1:
0x216: {  	s4 =	sadd.s32 s10, s29;
	[tilespmem:v20+s1+$0xF0 ss:$0x1] =	vst.idx.msk $0xffff, v0;
	(pc) =	sbr.rel @p0 .LBB2_2-.Ltmp1, $4  }
0x217: {  	s4 =	smul.u32 $0xD00, s4;
	v10 =	vld [tilespmem:$0x1FFF0]  }
0x218: {  	s26 =	sadd.s32 $0x6800, s26;
	v0 =	vld [tilespmem:$0x1FFC0]  }
0x219: {  	s29 =	smov.u32 s28;
	s4 =	sadd.s32 s9, s4;
	s31 =	sadd.s32 $0x4, s30;
	v1 =	vld [tilespmem:$0x1FFE0]  }
0x21a: {  	[hbm4b:s4+s6] =	stream.linear.scatter [tilespmem:s7], [sflag:s31], $0x6480, $0x38;
	v2 =	vld [tilespmem:$0x1FFD0]  }
0x21b: {  	_ =	swait.ge [sflag:s22], $0x6480  }
0x21c: {  	[sflag:s22] =	ssyncset.done $0x0  }
0x21d: {  	s25 =	sadd.s32 $0x1, s25;
	[sflag:s22] =	ssyncadd.s32 $0xFFFF9B80  }
0x21e: {  	p0 =	sne.s32 s25, s13;
	_ =	swait.ge [sflag:s23], $0x6480  }
.Ltmp2:
0x21f: {  	[sflag:s23] =	ssyncset.done $0x0;
	(pc) =	sbr.rel @p0 .LBB2_1-.Ltmp2, $4  }
0x220: {  	[sflag:s23] =	ssyncadd.s32 $0xFFFF9B80  }
0x221: {  	_ =	swait.ge [sflag:s24], $0x6480  }
0x222: {  	[sflag:s24] =	ssyncset.done $0x0  }
0x223: {  	[sflag:s24] =	ssyncadd.s32 $0xFFFF9B80  }
0x224: {  	_ =	sfence.sel $0x180000  }
0x225: {  	[bflag:$0x0] =	sbarrier.arrive $0xFFFF  }
0x226: {  	_ =	strace $0x90000047  }
0x227: {  	s0 =	stileid.u32;
	[bflag:$0x2] =	sbarrier.arrive $0xFFFF  }
0x228: {  	p0 =	sne.s32 s0, $0x0;
	s0 =	rddreg [dreg:$0x6]  }
0x229: {  	s0 =	sadd.s32 @!p0 $0x100000, s0  }
0x22a: {  	[sflag:s0] =	ssyncadd.tile.s32 @!p0 $0x1;
	_ =	shalt  }
.Lfunc_end2:
_tile_overlayer_lowered:
.L_overlay_start_2:
0x22b: {  	(tag) =	ssettag $0x2  }
0x22c: {  	s0 =	rddreg [dreg:$0x0];
	s2 =	stileid.u32  }
0x22d: {  	s1 =	rddreg [dreg:$0x1];
	p0 =	sne.s32 s2, $0x0  }
0x22e: {  	s3 =	rddreg [dreg:$0x2];
	[bflag:$0x3] =	sbarrier.arrive $0xFFFF;
	s2 =	simm.s32 @!p0 $0x1C07  }
0x22f: {  	[timem:s3], [sflag:s2] =	dma.local @!p0 [hbm:s0], s1  }
0x230: {  	s0 =	simm.s32 @!p0 $0x7  }
0x231: {  	_ =	swait.ge @!p0 [sflag:s0], s1  }
0x232: {  	s1 =	ssub.s32 @!p0 $0x0, s1;
	[sflag:s0] =	ssyncset.done @!p0 $0x0  }
0x233: {  	[sflag:s0] =	ssyncadd.s32 @!p0 s1  }
0x234: {  	[bflag:$0x3] =	sbarrier.arrive $0xFFFF  }
0x235: {  	_ =	shalt  }

</sc_bundles>
